<compile_context>
chip_gen: v7x
topology: tpu7x:2x2x1
jax: 0.10.2.dev20260603
libtpu: 0.0.44.dev20260713+nightly
codegen_flags: <defaults>
</compile_context>

<pallas_src>
import functools

import jax
import jax.numpy as jnp
from jax import lax
from jax.experimental import pallas as pl
from jax.experimental.pallas import tpu as pltpu
from jax.experimental.pallas import tpu_sc as plsc

B = 16384
D3 = 256
_GATHER_CHUNK = 128
_NSEG = 2
_BS = B // _NSEG


def _leaky(x):
    return jnp.where(x > 0, x, 0.01 * x)


def _dot_nt(a, b):
    return lax.dot_general(a, b, (((1,), (1,)), ((), ())),
                           preferred_element_type=jnp.float32)


def _dot_tn(a, b):
    return lax.dot_general(a, b, (((0,), (0,)), ((), ())),
                           preferred_element_type=jnp.float32)


def _dot_nn(a, b):
    return jnp.dot(a, b, preferred_element_type=jnp.float32)


def _prep_body(c3_ref, idx_ref, canvas_ref):
    idx_ref[...] = c3_ref[...].reshape(128, 128)
    canvas_ref[...] = jnp.zeros(canvas_ref.shape, canvas_ref.dtype)


def _tc_prep(cat3):
    return pl.pallas_call(
        _prep_body,
        grid=(1,),
        in_specs=[pl.BlockSpec((1, B), lambda i: (0, 0))],
        out_specs=[
            pl.BlockSpec((128, 128), lambda i: (0, 0)),
            pl.BlockSpec((8, 128), lambda i: (0, 0)),
        ],
        out_shape=[
            jax.ShapeDtypeStruct((128, 128), jnp.int32),
            jax.ShapeDtypeStruct((B, 128), jnp.float32),
        ],
    )(cat3)


def _sc_gather_seg(table, idx2d, seg):
    info = plsc.get_sparse_core_info()
    nw = info.num_cores * info.num_subcores
    b_per_w = _BS // nw
    n_chunks = b_per_w // _GATHER_CHUNK
    rows_per_w = b_per_w // _GATHER_CHUNK

    mesh = plsc.VectorSubcoreMesh(core_axis_name="c", subcore_axis_name="s")

    @functools.partial(
        pl.kernel,
        mesh=mesh,
        out_type=jax.ShapeDtypeStruct((_BS, D3), jnp.float32),
        scratch_types=[
            pltpu.VMEM((8, _GATHER_CHUNK), jnp.int32),
            pltpu.VMEM((_GATHER_CHUNK, D3), jnp.float32),
            pltpu.VMEM((_GATHER_CHUNK, D3), jnp.float32),
            pltpu.SemaphoreType.DMA,
            pltpu.SemaphoreType.DMA,
            pltpu.SemaphoreType.DMA,
            pltpu.SemaphoreType.DMA,
        ],
    )
    def gather_k(table_hbm, idx_hbm, out_hbm, idx_v, rows_a, rows_b,
                 gsem_a, gsem_b, osem_a, osem_b):
        wid = lax.axis_index("s") * info.num_cores + lax.axis_index("c")
        base = wid * b_per_w
        idx_row0 = (seg * _BS + base) // _GATHER_CHUNK
        slab0 = pl.multiple_of((idx_row0 // 8) * 8, 8)
        inner = idx_row0 - (idx_row0 // 8) * 8
        rows = (rows_a, rows_b)
        gsem = (gsem_a, gsem_b)
        osem = (osem_a, osem_b)
        pltpu.sync_copy(idx_hbm.at[pl.ds(slab0, 8)], idx_v)
        out_copies = [None] * n_chunks
        prev = None
        for c in range(n_chunks):
            if c >= 2:
                out_copies[c - 2].wait()
            g = pltpu.async_copy(table_hbm.at[idx_v.at[inner + c]],
                                 rows[c % 2], gsem[c % 2])
            if prev is not None:
                pc, pg = prev
                pg.wait()
                out_copies[pc] = pltpu.async_copy(
                    rows[pc % 2],
                    out_hbm.at[pl.ds(base + pc * _GATHER_CHUNK, _GATHER_CHUNK)],
                    osem[pc % 2])
            prev = (c, g)
        pc, pg = prev
        pg.wait()
        out_copies[pc] = pltpu.async_copy(
            rows[pc % 2],
            out_hbm.at[pl.ds(base + pc * _GATHER_CHUNK, _GATHER_CHUNK)],
            osem[pc % 2])
        if n_chunks >= 2:
            out_copies[n_chunks - 2].wait()
        out_copies[n_chunks - 1].wait()

    return gather_k(table, idx2d)


def _final_body(canvas_ref, numT_ref, c1_ref, c2_ref, e3_ref,
                W1T_ref, b1_ref, W2T_ref, b2_ref, E1_ref, E2_ref, W3T_ref,
                b3_ref, out_ref):
    del canvas_ref
    blk = e3_ref.shape[0]
    v = _leaky(_dot_tn(numT_ref[...], W1T_ref[...]) + b1_ref[...])
    v = _leaky(_dot_nn(v, W2T_ref[...]) + b2_ref[...])
    acc = _dot_nn(v, W3T_ref[0:128, :])
    acc += _dot_nn(e3_ref[...], W3T_ref[169:425, :])
    oh1t = (c1_ref[...] == lax.broadcasted_iota(jnp.int32, (4, blk), 0)
            ).astype(jnp.float32)
    e1 = _dot_tn(oh1t, E1_ref[...])
    acc += _dot_nn(e1, W3T_ref[128:144, :])
    oh2t = (c2_ref[...] == lax.broadcasted_iota(jnp.int32, (5, blk), 0)
            ).astype(jnp.float32)
    e2 = _dot_tn(oh2t, E2_ref[...])
    acc += _dot_nn(e2, W3T_ref[144:169, :])
    acc += b3_ref[...]
    out_ref[...] = _leaky(acc)


def _tc_final_seg(seg, canvas, numericT, c1, c2, e3_seg,
                  W1T, b1, W2T, b2, E1, E2, W3T, b3, blk=2048):
    grid = _BS // blk
    off = seg * grid

    def full(shape):
        return pl.BlockSpec(shape, lambda i: tuple(0 for _ in shape))

    return pl.pallas_call(
        _final_body,
        grid=(grid,),
        in_specs=[
            pl.BlockSpec((8, 128), lambda i: (0, 0)),
            pl.BlockSpec((3, blk), lambda i: (0, i + off)),
            pl.BlockSpec((1, blk), lambda i: (0, i + off)),
            pl.BlockSpec((1, blk), lambda i: (0, i + off)),
            pl.BlockSpec((blk, D3), lambda i: (i, 0)),
            full((3, 64)),
            full((64,)),
            full((64, 128)),
            full((128,)),
            full((4, 16)),
            full((5, 25)),
            full((425, 128)),
            full((128,)),
        ],
        out_specs=pl.BlockSpec((blk, 128), lambda i: (i + off, 0)),
        out_shape=jax.ShapeDtypeStruct((B, 128), jnp.float32),
        input_output_aliases={0: 0},
    )(canvas, numericT, c1, c2, e3_seg, W1T, b1, W2T, b2, E1, E2, W3T, b3)


def kernel(numeric, cat1, cat2, cat3, W1, b1, W2, b2, E1, E2, E3, W3, b3):
    idx2d, canvas = _tc_prep(cat3.astype(jnp.int32))
    e3_segs = [_sc_gather_seg(E3, idx2d, s) for s in range(_NSEG)]

    c1 = cat1.astype(jnp.int32)
    c2 = cat2.astype(jnp.int32)
    y = canvas
    for s in range(_NSEG):
        y = _tc_final_seg(s, y, numeric.T, c1, c2, e3_segs[s],
                          W1.T, b1, W2.T, b2, E1, E2, W3.T, b3)
    return y

# --- scband reference (transcript-rebuilt; emitter-appended) ---
"""Pipeline reference for scband-row-77601469104205 (READ-ONLY COPY).

The authoritative reference and input builder live on the scoring server;
editing this copy changes nothing except your own understanding.
"""

import jax, jax.numpy as jnp
import numpy as np

B = 16384

def _leaky(x):
    return jnp.where(x > 0, x, 0.01 * x)

def setup_inputs(seed: int = 0) -> dict:
    key = jax.random.key(seed)
    ks = jax.random.split(key, 16)
    numeric = jax.random.normal(ks[0], (B, 3), dtype=jnp.float32)
    cat1 = jax.random.randint(ks[1], (1, B), 0, 4)
    cat2 = jax.random.randint(ks[2], (1, B), 0, 5)
    cat3 = jax.random.randint(ks[3], (1, B), 0, 352899)
    W1 = jax.random.normal(ks[4], (64, 3), dtype=jnp.float32) * 0.1
    b1 = jnp.zeros((64,), dtype=jnp.float32)
    W2 = jax.random.normal(ks[5], (128, 64), dtype=jnp.float32) * 0.1
    b2 = jnp.zeros((128,), dtype=jnp.float32)
    E1 = jax.random.normal(ks[6], (4, 16), dtype=jnp.float32)
    E2 = jax.random.normal(ks[7], (5, 25), dtype=jnp.float32)
    E3 = jax.random.normal(ks[8], (352899, 256), dtype=jnp.float32)
    W3 = jax.random.normal(ks[9], (128, 128 + 256 + 16 + 25), dtype=jnp.float32) * 0.05
    b3 = jnp.zeros((128,), dtype=jnp.float32)
    return {"numeric": numeric, "cat1": cat1, "cat2": cat2, "cat3": cat3,
            "W1": W1, "b1": b1, "W2": W2, "b2": b2,
            "E1": E1, "E2": E2, "E3": E3, "W3": W3, "b3": b3}

def reference(numeric, cat1, cat2, cat3, W1, b1, W2, b2, E1, E2, E3, W3, b3):
    # f1 MLP (dropout is identity at inference)
    v = _leaky(numeric @ W1.T + b1)
    v = _leaky(v @ W2.T + b2)
    # embedding lookups; cat rows are [1, B], squeeze to [B]
    e1 = jnp.take(E1, cat1[0], axis=0)
    e2 = jnp.take(E2, cat2[0], axis=0)
    e3 = jnp.take(E3, cat3[0], axis=0)
    v = jnp.concatenate([v, e1, e2, e3], axis=1)
    y = _leaky(v @ W3.T + b3)
    return y

if __name__ == "__main__":
    import jax
    _d = setup_inputs()
    print(jax.jit(kernel)(*tuple(_d.values())))

</pallas_src>

<mosaic_0001>
#map = affine_map<(d0, d1) -> (0, 0)>
module attributes {stable_mosaic.version = 14 : i64} {
  func.func @gather_k(%arg0: i32, %arg1: i32, %arg2: memref<352899x256xf32, #tpu.memory_space<hbm>>, %arg3: memref<128x128xi32, #tpu.memory_space<hbm>>, %arg4: memref<8192x256xf32, #tpu.memory_space<hbm>>, %arg5: memref<8x128xi32, #tpu.memory_space<vmem>>, %arg6: memref<128x256xf32, #tpu.memory_space<vmem>>, %arg7: memref<128x256xf32, #tpu.memory_space<vmem>>, %arg8: memref<!tpu.dma_semaphore, #tpu.memory_space<semaphore_mem>>, %arg9: memref<!tpu.dma_semaphore, #tpu.memory_space<semaphore_mem>>, %arg10: memref<!tpu.dma_semaphore, #tpu.memory_space<semaphore_mem>>, %arg11: memref<!tpu.dma_semaphore, #tpu.memory_space<semaphore_mem>>) attributes {dimension_semantics = [#tpu.dimension_semantics<core_parallel>, #tpu.dimension_semantics<subcore_parallel>], iteration_bounds = array<i64: 2, 16>, scalar_prefetch = 0 : i64, scratch_operands = 7 : i64, tpu.core_type = #tpu.core_type<sc_vector_subcore>, window_params = [{transform_indices = #map}, {transform_indices = #map}, {transform_indices = #map}]} {
    %mul3A = arith.constant 2 : i32
    %mul3A_0 = arith.muli %arg1, %mul3A : i32
    %add3A = arith.addi %mul3A_0, %arg0 : i32
    %mul3A_1 = arith.constant 256 : i32
    %mul3A_2 = arith.muli %add3A, %mul3A_1 : i32
    %add3A_3 = arith.constant 0 : i32
    %add3A_4 = arith.addi %add3A_3, %mul3A_2 : i32
    %jit3A = arith.constant 128 : i32
    %div3A = arith.divsi %add3A_4, %jit3A : i32
    %sign3A = arith.constant 0 : i32
    %sign3A_5 = arith.cmpi sgt, %add3A_4, %sign3A : i32
    %sign3A_6 = arith.extui %sign3A_5 : i1 to i32
    %sign3A_7 = arith.constant 0 : i32
    %sign3A_8 = arith.cmpi slt, %add3A_4, %sign3A_7 : i32
    %sign3A_9 = arith.extui %sign3A_8 : i1 to i32
    %sign3A_10 = arith.subi %sign3A_6, %sign3A_9 : i32
    %sign3A_11 = arith.constant 0 : i32
    %sign3A_12 = arith.cmpi sgt, %jit3A, %sign3A_11 : i32
    %sign3A_13 = arith.extui %sign3A_12 : i1 to i32
    %sign3A_14 = arith.constant 0 : i32
    %sign3A_15 = arith.cmpi slt, %jit3A, %sign3A_14 : i32
    %sign3A_16 = arith.extui %sign3A_15 : i1 to i32
    %sign3A_17 = arith.subi %sign3A_13, %sign3A_16 : i32
    %ne3A = arith.cmpi ne, %sign3A_10, %sign3A_17 : i32
    %rem3A = arith.remsi %add3A_4, %jit3A : i32
    %ne3A_18 = arith.constant 0 : i32
    %ne3A_19 = arith.cmpi ne, %rem3A, %ne3A_18 : i32
    %and3A = arith.andi %ne3A, %ne3A_19 : i1
    %sub3A = arith.constant 1 : i32
    %sub3A_20 = arith.subi %div3A, %sub3A : i32
    %select_n3A = arith.select %and3A, %sub3A_20, %div3A : i32
    %jit3A_21 = arith.constant 8 : i32
    %div3A_22 = arith.divsi %select_n3A, %jit3A_21 : i32
    %sign3A_23 = arith.constant 0 : i32
    %sign3A_24 = arith.cmpi sgt, %select_n3A, %sign3A_23 : i32
    %sign3A_25 = arith.extui %sign3A_24 : i1 to i32
    %sign3A_26 = arith.constant 0 : i32
    %sign3A_27 = arith.cmpi slt, %select_n3A, %sign3A_26 : i32
    %sign3A_28 = arith.extui %sign3A_27 : i1 to i32
    %sign3A_29 = arith.subi %sign3A_25, %sign3A_28 : i32
    %sign3A_30 = arith.constant 0 : i32
    %sign3A_31 = arith.cmpi sgt, %jit3A_21, %sign3A_30 : i32
    %sign3A_32 = arith.extui %sign3A_31 : i1 to i32
    %sign3A_33 = arith.constant 0 : i32
    %sign3A_34 = arith.cmpi slt, %jit3A_21, %sign3A_33 : i32
    %sign3A_35 = arith.extui %sign3A_34 : i1 to i32
    %sign3A_36 = arith.subi %sign3A_32, %sign3A_35 : i32
    %ne3A_37 = arith.cmpi ne, %sign3A_29, %sign3A_36 : i32
    %rem3A_38 = arith.remsi %select_n3A, %jit3A_21 : i32
    %ne3A_39 = arith.constant 0 : i32
    %ne3A_40 = arith.cmpi ne, %rem3A_38, %ne3A_39 : i32
    %and3A_41 = arith.andi %ne3A_37, %ne3A_40 : i1
    %sub3A_42 = arith.constant 1 : i32
    %sub3A_43 = arith.subi %div3A_22, %sub3A_42 : i32
    %select_n3A_44 = arith.select %and3A_41, %sub3A_43, %div3A_22 : i32
    %mul3A_45 = arith.constant 8 : i32
    %mul3A_46 = arith.muli %select_n3A_44, %mul3A_45 : i32
    %multiple_of3A = tpu.assume_multiple %mul3A_46, 8 : i32
    %jit3A_47 = arith.constant 8 : i32
    %div3A_48 = arith.divsi %select_n3A, %jit3A_47 : i32
    %sign3A_49 = arith.constant 0 : i32
    %sign3A_50 = arith.cmpi sgt, %select_n3A, %sign3A_49 : i32
    %sign3A_51 = arith.extui %sign3A_50 : i1 to i32
    %sign3A_52 = arith.constant 0 : i32
    %sign3A_53 = arith.cmpi slt, %select_n3A, %sign3A_52 : i32
    %sign3A_54 = arith.extui %sign3A_53 : i1 to i32
    %sign3A_55 = arith.subi %sign3A_51, %sign3A_54 : i32
    %sign3A_56 = arith.constant 0 : i32
    %sign3A_57 = arith.cmpi sgt, %jit3A_47, %sign3A_56 : i32
    %sign3A_58 = arith.extui %sign3A_57 : i1 to i32
    %sign3A_59 = arith.constant 0 : i32
    %sign3A_60 = arith.cmpi slt, %jit3A_47, %sign3A_59 : i32
    %sign3A_61 = arith.extui %sign3A_60 : i1 to i32
    %sign3A_62 = arith.subi %sign3A_58, %sign3A_61 : i32
    %ne3A_63 = arith.cmpi ne, %sign3A_55, %sign3A_62 : i32
    %rem3A_64 = arith.remsi %select_n3A, %jit3A_47 : i32
    %ne3A_65 = arith.constant 0 : i32
    %ne3A_66 = arith.cmpi ne, %rem3A_64, %ne3A_65 : i32
    %and3A_67 = arith.andi %ne3A_63, %ne3A_66 : i1
    %sub3A_68 = arith.constant 1 : i32
    %sub3A_69 = arith.subi %div3A_48, %sub3A_68 : i32
    %select_n3A_70 = arith.select %and3A_67, %sub3A_69, %div3A_48 : i32
    %mul3A_71 = arith.constant 8 : i32
    %mul3A_72 = arith.muli %select_n3A_70, %mul3A_71 : i32
    %sub3A_73 = arith.subi %select_n3A, %mul3A_72 : i32
    "tpu.region"() ({
      %run_scoped3A = tpu.sem_alloc : memref<!tpu.dma_semaphore, #tpu.memory_space<semaphore_mem>>
      %dma_start3A_120 = arith.constant 0 : i32
      %dma_start3A_121 = tpu.memref_slice %arg3[%multiple_of3A, %dma_start3A_120] : memref<128x128xi32, #tpu.memory_space<hbm>> -> memref<8x128xi32, #tpu.memory_space<hbm>>
      %dma_start3A_122 = arith.constant 0 : i32
      %dma_start3A_123 = tpu.memref_slice %arg3[%multiple_of3A, %dma_start3A_122] : memref<128x128xi32, #tpu.memory_space<hbm>> -> memref<8x128xi32, #tpu.memory_space<hbm>>
      tpu.enqueue_dma source(%dma_start3A_123 : memref<8x128xi32, #tpu.memory_space<hbm>>) target(%arg5 : memref<8x128xi32, #tpu.memory_space<vmem>>) target_semaphore(%run_scoped3A : memref<!tpu.dma_semaphore, #tpu.memory_space<semaphore_mem>>)
      %dma_wait3A_124 = arith.constant 0 : i32
      %dma_wait3A_125 = tpu.memref_slice %arg3[%multiple_of3A, %dma_wait3A_124] : memref<128x128xi32, #tpu.memory_space<hbm>> -> memref<8x128xi32, #tpu.memory_space<hbm>>
      %dma_wait3A_126 = arith.constant 0 : i32
      %dma_wait3A_127 = tpu.memref_slice %arg3[%multiple_of3A, %dma_wait3A_126] : memref<128x128xi32, #tpu.memory_space<hbm>> -> memref<8x128xi32, #tpu.memory_space<hbm>>
      tpu.wait_dma2 semaphore(%run_scoped3A : memref<!tpu.dma_semaphore, #tpu.memory_space<semaphore_mem>>) src(%dma_wait3A_127 : memref<8x128xi32, #tpu.memory_space<hbm>>) dst(%arg5 : memref<8x128xi32, #tpu.memory_space<vmem>>)
      tpu.yield
    }) : () -> ()
    %add3A_74 = arith.constant 0 : i32
    %add3A_75 = arith.addi %sub3A_73, %add3A_74 : i32
    %dma_start3A = arith.constant 0 : i32
    %dma_start3A_76 = tpu.memref_slice %arg5[%add3A_75, %dma_start3A] : memref<8x128xi32, #tpu.memory_space<vmem>> -> memref<1x128xi32, #tpu.memory_space<vmem>>
    %dma_start3A_77 = tpu.memref_squeeze %dma_start3A_76 : memref<1x128xi32, #tpu.memory_space<vmem>> -> memref<128xi32, #tpu.memory_space<vmem>>
    %dma_start3A_78 = arith.constant 0 : i32
    %dma_start3A_79 = arith.constant 0 : i32
    %dma_start3A_80 = tpu.memref_slice %arg2[%dma_start3A_78, %dma_start3A_79] : memref<352899x256xf32, #tpu.memory_space<hbm>> -> memref<352899x256xf32, #tpu.memory_space<hbm>>
    tpu.enqueue_indirect_dma source(%dma_start3A_80 : memref<352899x256xf32, #tpu.memory_space<hbm>>) target(%arg6 : memref<128x256xf32, #tpu.memory_space<vmem>>) offsets(%dma_start3A_77 : memref<128xi32, #tpu.memory_space<vmem>>) semaphore(%arg8 : memref<!tpu.dma_semaphore, #tpu.memory_space<semaphore_mem>>)
    %add3A_81 = arith.constant 1 : i32
    %add3A_82 = arith.addi %sub3A_73, %add3A_81 : i32
    %dma_start3A_83 = arith.constant 0 : i32
    %dma_start3A_84 = tpu.memref_slice %arg5[%add3A_82, %dma_start3A_83] : memref<8x128xi32, #tpu.memory_space<vmem>> -> memref<1x128xi32, #tpu.memory_space<vmem>>
    %dma_start3A_85 = tpu.memref_squeeze %dma_start3A_84 : memref<1x128xi32, #tpu.memory_space<vmem>> -> memref<128xi32, #tpu.memory_space<vmem>>
    %dma_start3A_86 = arith.constant 0 : i32
    %dma_start3A_87 = arith.constant 0 : i32
    %dma_start3A_88 = tpu.memref_slice %arg2[%dma_start3A_86, %dma_start3A_87] : memref<352899x256xf32, #tpu.memory_space<hbm>> -> memref<352899x256xf32, #tpu.memory_space<hbm>>
    tpu.enqueue_indirect_dma source(%dma_start3A_88 : memref<352899x256xf32, #tpu.memory_space<hbm>>) target(%arg7 : memref<128x256xf32, #tpu.memory_space<vmem>>) offsets(%dma_start3A_85 : memref<128xi32, #tpu.memory_space<vmem>>) semaphore(%arg9 : memref<!tpu.dma_semaphore, #tpu.memory_space<semaphore_mem>>)
    %dma_wait3A = arith.constant 0 : i32
    %dma_wait3A_89 = tpu.memref_slice %arg5[%add3A_75, %dma_wait3A] : memref<8x128xi32, #tpu.memory_space<vmem>> -> memref<1x128xi32, #tpu.memory_space<vmem>>
    %dma_wait3A_90 = tpu.memref_squeeze %dma_wait3A_89 : memref<1x128xi32, #tpu.memory_space<vmem>> -> memref<128xi32, #tpu.memory_space<vmem>>
    %dma_wait3A_91 = arith.constant 0 : i32
    %dma_wait3A_92 = arith.constant 0 : i32
    %dma_wait3A_93 = tpu.memref_slice %arg2[%dma_wait3A_91, %dma_wait3A_92] : memref<352899x256xf32, #tpu.memory_space<hbm>> -> memref<352899x256xf32, #tpu.memory_space<hbm>>
    tpu.wait_indirect_dma semaphore(%arg8 : memref<!tpu.dma_semaphore, #tpu.memory_space<semaphore_mem>>) src(%dma_wait3A_93 : memref<352899x256xf32, #tpu.memory_space<hbm>>) dst(%arg6 : memref<128x256xf32, #tpu.memory_space<vmem>>)
    %add3A_94 = arith.constant 0 : i32
    %add3A_95 = arith.addi %mul3A_2, %add3A_94 : i32
    %dma_start3A_96 = arith.constant 0 : i32
    %dma_start3A_97 = tpu.memref_slice %arg4[%add3A_95, %dma_start3A_96] : memref<8192x256xf32, #tpu.memory_space<hbm>> -> memref<128x256xf32, #tpu.memory_space<hbm>>
    %dma_start3A_98 = arith.constant 0 : i32
    %dma_start3A_99 = tpu.memref_slice %arg4[%add3A_95, %dma_start3A_98] : memref<8192x256xf32, #tpu.memory_space<hbm>> -> memref<128x256xf32, #tpu.memory_space<hbm>>
    tpu.enqueue_dma source(%arg6 : memref<128x256xf32, #tpu.memory_space<vmem>>) target(%dma_start3A_99 : memref<128x256xf32, #tpu.memory_space<hbm>>) target_semaphore(%arg10 : memref<!tpu.dma_semaphore, #tpu.memory_space<semaphore_mem>>)
    %dma_wait3A_100 = arith.constant 0 : i32
    %dma_wait3A_101 = tpu.memref_slice %arg5[%add3A_82, %dma_wait3A_100] : memref<8x128xi32, #tpu.memory_space<vmem>> -> memref<1x128xi32, #tpu.memory_space<vmem>>
    %dma_wait3A_102 = tpu.memref_squeeze %dma_wait3A_101 : memref<1x128xi32, #tpu.memory_space<vmem>> -> memref<128xi32, #tpu.memory_space<vmem>>
    %dma_wait3A_103 = arith.constant 0 : i32
    %dma_wait3A_104 = arith.constant 0 : i32
    %dma_wait3A_105 = tpu.memref_slice %arg2[%dma_wait3A_103, %dma_wait3A_104] : memref<352899x256xf32, #tpu.memory_space<hbm>> -> memref<352899x256xf32, #tpu.memory_space<hbm>>
    tpu.wait_indirect_dma semaphore(%arg9 : memref<!tpu.dma_semaphore, #tpu.memory_space<semaphore_mem>>) src(%dma_wait3A_105 : memref<352899x256xf32, #tpu.memory_space<hbm>>) dst(%arg7 : memref<128x256xf32, #tpu.memory_space<vmem>>)
    %add3A_106 = arith.constant 128 : i32
    %add3A_107 = arith.addi %mul3A_2, %add3A_106 : i32
    %dma_start3A_108 = arith.constant 0 : i32
    %dma_start3A_109 = tpu.memref_slice %arg4[%add3A_107, %dma_start3A_108] : memref<8192x256xf32, #tpu.memory_space<hbm>> -> memref<128x256xf32, #tpu.memory_space<hbm>>
    %dma_start3A_110 = arith.constant 0 : i32
    %dma_start3A_111 = tpu.memref_slice %arg4[%add3A_107, %dma_start3A_110] : memref<8192x256xf32, #tpu.memory_space<hbm>> -> memref<128x256xf32, #tpu.memory_space<hbm>>
    tpu.enqueue_dma source(%arg7 : memref<128x256xf32, #tpu.memory_space<vmem>>) target(%dma_start3A_111 : memref<128x256xf32, #tpu.memory_space<hbm>>) target_semaphore(%arg11 : memref<!tpu.dma_semaphore, #tpu.memory_space<semaphore_mem>>)
    %dma_wait3A_112 = arith.constant 0 : i32
    %dma_wait3A_113 = tpu.memref_slice %arg4[%add3A_95, %dma_wait3A_112] : memref<8192x256xf32, #tpu.memory_space<hbm>> -> memref<128x256xf32, #tpu.memory_space<hbm>>
    %dma_wait3A_114 = arith.constant 0 : i32
    %dma_wait3A_115 = tpu.memref_slice %arg4[%add3A_95, %dma_wait3A_114] : memref<8192x256xf32, #tpu.memory_space<hbm>> -> memref<128x256xf32, #tpu.memory_space<hbm>>
    tpu.wait_dma2 semaphore(%arg10 : memref<!tpu.dma_semaphore, #tpu.memory_space<semaphore_mem>>) src(%arg6 : memref<128x256xf32, #tpu.memory_space<vmem>>) dst(%dma_wait3A_115 : memref<128x256xf32, #tpu.memory_space<hbm>>)
    %dma_wait3A_116 = arith.constant 0 : i32
    %dma_wait3A_117 = tpu.memref_slice %arg4[%add3A_107, %dma_wait3A_116] : memref<8192x256xf32, #tpu.memory_space<hbm>> -> memref<128x256xf32, #tpu.memory_space<hbm>>
    %dma_wait3A_118 = arith.constant 0 : i32
    %dma_wait3A_119 = tpu.memref_slice %arg4[%add3A_107, %dma_wait3A_118] : memref<8192x256xf32, #tpu.memory_space<hbm>> -> memref<128x256xf32, #tpu.memory_space<hbm>>
    tpu.wait_dma2 semaphore(%arg11 : memref<!tpu.dma_semaphore, #tpu.memory_space<semaphore_mem>>) src(%arg7 : memref<128x256xf32, #tpu.memory_space<vmem>>) dst(%dma_wait3A_119 : memref<128x256xf32, #tpu.memory_space<hbm>>)
    return
  }
}

#map = affine_map<(d0, d1) -> (0, 0)>
module attributes {stable_mosaic.version = 14 : i64} {
  func.func @gather_k(%arg0: i32, %arg1: i32, %arg2: memref<352899x256xf32, #tpu.memory_space<hbm>>, %arg3: memref<128x128xi32, #tpu.memory_space<hbm>>, %arg4: memref<8192x256xf32, #tpu.memory_space<hbm>>, %arg5: memref<8x128xi32, #tpu.memory_space<vmem>>, %arg6: memref<128x256xf32, #tpu.memory_space<vmem>>, %arg7: memref<128x256xf32, #tpu.memory_space<vmem>>, %arg8: memref<!tpu.dma_semaphore, #tpu.memory_space<semaphore_mem>>, %arg9: memref<!tpu.dma_semaphore, #tpu.memory_space<semaphore_mem>>, %arg10: memref<!tpu.dma_semaphore, #tpu.memory_space<semaphore_mem>>, %arg11: memref<!tpu.dma_semaphore, #tpu.memory_space<semaphore_mem>>) attributes {dimension_semantics = [#tpu.dimension_semantics<core_parallel>, #tpu.dimension_semantics<subcore_parallel>], iteration_bounds = array<i64: 2, 16>, scalar_prefetch = 0 : i64, scratch_operands = 7 : i64, tpu.core_type = #tpu.core_type<sc_vector_subcore>, window_params = [{transform_indices = #map}, {transform_indices = #map}, {transform_indices = #map}]} {
    %mul3A = arith.constant 2 : i32
    %mul3A_0 = arith.muli %arg1, %mul3A : i32
    %add3A = arith.addi %mul3A_0, %arg0 : i32
    %mul3A_1 = arith.constant 256 : i32
    %mul3A_2 = arith.muli %add3A, %mul3A_1 : i32
    %add3A_3 = arith.constant 8192 : i32
    %add3A_4 = arith.addi %add3A_3, %mul3A_2 : i32
    %jit3A = arith.constant 128 : i32
    %div3A = arith.divsi %add3A_4, %jit3A : i32
    %sign3A = arith.constant 0 : i32
    %sign3A_5 = arith.cmpi sgt, %add3A_4, %sign3A : i32
    %sign3A_6 = arith.extui %sign3A_5 : i1 to i32
    %sign3A_7 = arith.constant 0 : i32
    %sign3A_8 = arith.cmpi slt, %add3A_4, %sign3A_7 : i32
    %sign3A_9 = arith.extui %sign3A_8 : i1 to i32
    %sign3A_10 = arith.subi %sign3A_6, %sign3A_9 : i32
    %sign3A_11 = arith.constant 0 : i32
    %sign3A_12 = arith.cmpi sgt, %jit3A, %sign3A_11 : i32
    %sign3A_13 = arith.extui %sign3A_12 : i1 to i32
    %sign3A_14 = arith.constant 0 : i32
    %sign3A_15 = arith.cmpi slt, %jit3A, %sign3A_14 : i32
    %sign3A_16 = arith.extui %sign3A_15 : i1 to i32
    %sign3A_17 = arith.subi %sign3A_13, %sign3A_16 : i32
    %ne3A = arith.cmpi ne, %sign3A_10, %sign3A_17 : i32
    %rem3A = arith.remsi %add3A_4, %jit3A : i32
    %ne3A_18 = arith.constant 0 : i32
    %ne3A_19 = arith.cmpi ne, %rem3A, %ne3A_18 : i32
    %and3A = arith.andi %ne3A, %ne3A_19 : i1
    %sub3A = arith.constant 1 : i32
    %sub3A_20 = arith.subi %div3A, %sub3A : i32
    %select_n3A = arith.select %and3A, %sub3A_20, %div3A : i32
    %jit3A_21 = arith.constant 8 : i32
    %div3A_22 = arith.divsi %select_n3A, %jit3A_21 : i32
    %sign3A_23 = arith.constant 0 : i32
    %sign3A_24 = arith.cmpi sgt, %select_n3A, %sign3A_23 : i32
    %sign3A_25 = arith.extui %sign3A_24 : i1 to i32
    %sign3A_26 = arith.constant 0 : i32
    %sign3A_27 = arith.cmpi slt, %select_n3A, %sign3A_26 : i32
    %sign3A_28 = arith.extui %sign3A_27 : i1 to i32
    %sign3A_29 = arith.subi %sign3A_25, %sign3A_28 : i32
    %sign3A_30 = arith.constant 0 : i32
    %sign3A_31 = arith.cmpi sgt, %jit3A_21, %sign3A_30 : i32
    %sign3A_32 = arith.extui %sign3A_31 : i1 to i32
    %sign3A_33 = arith.constant 0 : i32
    %sign3A_34 = arith.cmpi slt, %jit3A_21, %sign3A_33 : i32
    %sign3A_35 = arith.extui %sign3A_34 : i1 to i32
    %sign3A_36 = arith.subi %sign3A_32, %sign3A_35 : i32
    %ne3A_37 = arith.cmpi ne, %sign3A_29, %sign3A_36 : i32
    %rem3A_38 = arith.remsi %select_n3A, %jit3A_21 : i32
    %ne3A_39 = arith.constant 0 : i32
    %ne3A_40 = arith.cmpi ne, %rem3A_38, %ne3A_39 : i32
    %and3A_41 = arith.andi %ne3A_37, %ne3A_40 : i1
    %sub3A_42 = arith.constant 1 : i32
    %sub3A_43 = arith.subi %div3A_22, %sub3A_42 : i32
    %select_n3A_44 = arith.select %and3A_41, %sub3A_43, %div3A_22 : i32
    %mul3A_45 = arith.constant 8 : i32
    %mul3A_46 = arith.muli %select_n3A_44, %mul3A_45 : i32
    %multiple_of3A = tpu.assume_multiple %mul3A_46, 8 : i32
    %jit3A_47 = arith.constant 8 : i32
    %div3A_48 = arith.divsi %select_n3A, %jit3A_47 : i32
    %sign3A_49 = arith.constant 0 : i32
    %sign3A_50 = arith.cmpi sgt, %select_n3A, %sign3A_49 : i32
    %sign3A_51 = arith.extui %sign3A_50 : i1 to i32
    %sign3A_52 = arith.constant 0 : i32
    %sign3A_53 = arith.cmpi slt, %select_n3A, %sign3A_52 : i32
    %sign3A_54 = arith.extui %sign3A_53 : i1 to i32
    %sign3A_55 = arith.subi %sign3A_51, %sign3A_54 : i32
    %sign3A_56 = arith.constant 0 : i32
    %sign3A_57 = arith.cmpi sgt, %jit3A_47, %sign3A_56 : i32
    %sign3A_58 = arith.extui %sign3A_57 : i1 to i32
    %sign3A_59 = arith.constant 0 : i32
    %sign3A_60 = arith.cmpi slt, %jit3A_47, %sign3A_59 : i32
    %sign3A_61 = arith.extui %sign3A_60 : i1 to i32
    %sign3A_62 = arith.subi %sign3A_58, %sign3A_61 : i32
    %ne3A_63 = arith.cmpi ne, %sign3A_55, %sign3A_62 : i32
    %rem3A_64 = arith.remsi %select_n3A, %jit3A_47 : i32
    %ne3A_65 = arith.constant 0 : i32
    %ne3A_66 = arith.cmpi ne, %rem3A_64, %ne3A_65 : i32
    %and3A_67 = arith.andi %ne3A_63, %ne3A_66 : i1
    %sub3A_68 = arith.constant 1 : i32
    %sub3A_69 = arith.subi %div3A_48, %sub3A_68 : i32
    %select_n3A_70 = arith.select %and3A_67, %sub3A_69, %div3A_48 : i32
    %mul3A_71 = arith.constant 8 : i32
    %mul3A_72 = arith.muli %select_n3A_70, %mul3A_71 : i32
    %sub3A_73 = arith.subi %select_n3A, %mul3A_72 : i32
    "tpu.region"() ({
      %run_scoped3A = tpu.sem_alloc : memref<!tpu.dma_semaphore, #tpu.memory_space<semaphore_mem>>
      %dma_start3A_120 = arith.constant 0 : i32
      %dma_start3A_121 = tpu.memref_slice %arg3[%multiple_of3A, %dma_start3A_120] : memref<128x128xi32, #tpu.memory_space<hbm>> -> memref<8x128xi32, #tpu.memory_space<hbm>>
      %dma_start3A_122 = arith.constant 0 : i32
      %dma_start3A_123 = tpu.memref_slice %arg3[%multiple_of3A, %dma_start3A_122] : memref<128x128xi32, #tpu.memory_space<hbm>> -> memref<8x128xi32, #tpu.memory_space<hbm>>
      tpu.enqueue_dma source(%dma_start3A_123 : memref<8x128xi32, #tpu.memory_space<hbm>>) target(%arg5 : memref<8x128xi32, #tpu.memory_space<vmem>>) target_semaphore(%run_scoped3A : memref<!tpu.dma_semaphore, #tpu.memory_space<semaphore_mem>>)
      %dma_wait3A_124 = arith.constant 0 : i32
      %dma_wait3A_125 = tpu.memref_slice %arg3[%multiple_of3A, %dma_wait3A_124] : memref<128x128xi32, #tpu.memory_space<hbm>> -> memref<8x128xi32, #tpu.memory_space<hbm>>
      %dma_wait3A_126 = arith.constant 0 : i32
      %dma_wait3A_127 = tpu.memref_slice %arg3[%multiple_of3A, %dma_wait3A_126] : memref<128x128xi32, #tpu.memory_space<hbm>> -> memref<8x128xi32, #tpu.memory_space<hbm>>
      tpu.wait_dma2 semaphore(%run_scoped3A : memref<!tpu.dma_semaphore, #tpu.memory_space<semaphore_mem>>) src(%dma_wait3A_127 : memref<8x128xi32, #tpu.memory_space<hbm>>) dst(%arg5 : memref<8x128xi32, #tpu.memory_space<vmem>>)
      tpu.yield
    }) : () -> ()
    %add3A_74 = arith.constant 0 : i32
    %add3A_75 = arith.addi %sub3A_73, %add3A_74 : i32
    %dma_start3A = arith.constant 0 : i32
    %dma_start3A_76 = tpu.memref_slice %arg5[%add3A_75, %dma_start3A] : memref<8x128xi32, #tpu.memory_space<vmem>> -> memref<1x128xi32, #tpu.memory_space<vmem>>
    %dma_start3A_77 = tpu.memref_squeeze %dma_start3A_76 : memref<1x128xi32, #tpu.memory_space<vmem>> -> memref<128xi32, #tpu.memory_space<vmem>>
    %dma_start3A_78 = arith.constant 0 : i32
    %dma_start3A_79 = arith.constant 0 : i32
    %dma_start3A_80 = tpu.memref_slice %arg2[%dma_start3A_78, %dma_start3A_79] : memref<352899x256xf32, #tpu.memory_space<hbm>> -> memref<352899x256xf32, #tpu.memory_space<hbm>>
    tpu.enqueue_indirect_dma source(%dma_start3A_80 : memref<352899x256xf32, #tpu.memory_space<hbm>>) target(%arg6 : memref<128x256xf32, #tpu.memory_space<vmem>>) offsets(%dma_start3A_77 : memref<128xi32, #tpu.memory_space<vmem>>) semaphore(%arg8 : memref<!tpu.dma_semaphore, #tpu.memory_space<semaphore_mem>>)
    %add3A_81 = arith.constant 1 : i32
    %add3A_82 = arith.addi %sub3A_73, %add3A_81 : i32
    %dma_start3A_83 = arith.constant 0 : i32
    %dma_start3A_84 = tpu.memref_slice %arg5[%add3A_82, %dma_start3A_83] : memref<8x128xi32, #tpu.memory_space<vmem>> -> memref<1x128xi32, #tpu.memory_space<vmem>>
    %dma_start3A_85 = tpu.memref_squeeze %dma_start3A_84 : memref<1x128xi32, #tpu.memory_space<vmem>> -> memref<128xi32, #tpu.memory_space<vmem>>
    %dma_start3A_86 = arith.constant 0 : i32
    %dma_start3A_87 = arith.constant 0 : i32
    %dma_start3A_88 = tpu.memref_slice %arg2[%dma_start3A_86, %dma_start3A_87] : memref<352899x256xf32, #tpu.memory_space<hbm>> -> memref<352899x256xf32, #tpu.memory_space<hbm>>
    tpu.enqueue_indirect_dma source(%dma_start3A_88 : memref<352899x256xf32, #tpu.memory_space<hbm>>) target(%arg7 : memref<128x256xf32, #tpu.memory_space<vmem>>) offsets(%dma_start3A_85 : memref<128xi32, #tpu.memory_space<vmem>>) semaphore(%arg9 : memref<!tpu.dma_semaphore, #tpu.memory_space<semaphore_mem>>)
    %dma_wait3A = arith.constant 0 : i32
    %dma_wait3A_89 = tpu.memref_slice %arg5[%add3A_75, %dma_wait3A] : memref<8x128xi32, #tpu.memory_space<vmem>> -> memref<1x128xi32, #tpu.memory_space<vmem>>
    %dma_wait3A_90 = tpu.memref_squeeze %dma_wait3A_89 : memref<1x128xi32, #tpu.memory_space<vmem>> -> memref<128xi32, #tpu.memory_space<vmem>>
    %dma_wait3A_91 = arith.constant 0 : i32
    %dma_wait3A_92 = arith.constant 0 : i32
    %dma_wait3A_93 = tpu.memref_slice %arg2[%dma_wait3A_91, %dma_wait3A_92] : memref<352899x256xf32, #tpu.memory_space<hbm>> -> memref<352899x256xf32, #tpu.memory_space<hbm>>
    tpu.wait_indirect_dma semaphore(%arg8 : memref<!tpu.dma_semaphore, #tpu.memory_space<semaphore_mem>>) src(%dma_wait3A_93 : memref<352899x256xf32, #tpu.memory_space<hbm>>) dst(%arg6 : memref<128x256xf32, #tpu.memory_space<vmem>>)
    %add3A_94 = arith.constant 0 : i32
    %add3A_95 = arith.addi %mul3A_2, %add3A_94 : i32
    %dma_start3A_96 = arith.constant 0 : i32
    %dma_start3A_97 = tpu.memref_slice %arg4[%add3A_95, %dma_start3A_96] : memref<8192x256xf32, #tpu.memory_space<hbm>> -> memref<128x256xf32, #tpu.memory_space<hbm>>
    %dma_start3A_98 = arith.constant 0 : i32
    %dma_start3A_99 = tpu.memref_slice %arg4[%add3A_95, %dma_start3A_98] : memref<8192x256xf32, #tpu.memory_space<hbm>> -> memref<128x256xf32, #tpu.memory_space<hbm>>
    tpu.enqueue_dma source(%arg6 : memref<128x256xf32, #tpu.memory_space<vmem>>) target(%dma_start3A_99 : memref<128x256xf32, #tpu.memory_space<hbm>>) target_semaphore(%arg10 : memref<!tpu.dma_semaphore, #tpu.memory_space<semaphore_mem>>)
    %dma_wait3A_100 = arith.constant 0 : i32
    %dma_wait3A_101 = tpu.memref_slice %arg5[%add3A_82, %dma_wait3A_100] : memref<8x128xi32, #tpu.memory_space<vmem>> -> memref<1x128xi32, #tpu.memory_space<vmem>>
    %dma_wait3A_102 = tpu.memref_squeeze %dma_wait3A_101 : memref<1x128xi32, #tpu.memory_space<vmem>> -> memref<128xi32, #tpu.memory_space<vmem>>
    %dma_wait3A_103 = arith.constant 0 : i32
    %dma_wait3A_104 = arith.constant 0 : i32
    %dma_wait3A_105 = tpu.memref_slice %arg2[%dma_wait3A_103, %dma_wait3A_104] : memref<352899x256xf32, #tpu.memory_space<hbm>> -> memref<352899x256xf32, #tpu.memory_space<hbm>>
    tpu.wait_indirect_dma semaphore(%arg9 : memref<!tpu.dma_semaphore, #tpu.memory_space<semaphore_mem>>) src(%dma_wait3A_105 : memref<352899x256xf32, #tpu.memory_space<hbm>>) dst(%arg7 : memref<128x256xf32, #tpu.memory_space<vmem>>)
    %add3A_106 = arith.constant 128 : i32
    %add3A_107 = arith.addi %mul3A_2, %add3A_106 : i32
    %dma_start3A_108 = arith.constant 0 : i32
    %dma_start3A_109 = tpu.memref_slice %arg4[%add3A_107, %dma_start3A_108] : memref<8192x256xf32, #tpu.memory_space<hbm>> -> memref<128x256xf32, #tpu.memory_space<hbm>>
    %dma_start3A_110 = arith.constant 0 : i32
    %dma_start3A_111 = tpu.memref_slice %arg4[%add3A_107, %dma_start3A_110] : memref<8192x256xf32, #tpu.memory_space<hbm>> -> memref<128x256xf32, #tpu.memory_space<hbm>>
    tpu.enqueue_dma source(%arg7 : memref<128x256xf32, #tpu.memory_space<vmem>>) target(%dma_start3A_111 : memref<128x256xf32, #tpu.memory_space<hbm>>) target_semaphore(%arg11 : memref<!tpu.dma_semaphore, #tpu.memory_space<semaphore_mem>>)
    %dma_wait3A_112 = arith.constant 0 : i32
    %dma_wait3A_113 = tpu.memref_slice %arg4[%add3A_95, %dma_wait3A_112] : memref<8192x256xf32, #tpu.memory_space<hbm>> -> memref<128x256xf32, #tpu.memory_space<hbm>>
    %dma_wait3A_114 = arith.constant 0 : i32
    %dma_wait3A_115 = tpu.memref_slice %arg4[%add3A_95, %dma_wait3A_114] : memref<8192x256xf32, #tpu.memory_space<hbm>> -> memref<128x256xf32, #tpu.memory_space<hbm>>
    tpu.wait_dma2 semaphore(%arg10 : memref<!tpu.dma_semaphore, #tpu.memory_space<semaphore_mem>>) src(%arg6 : memref<128x256xf32, #tpu.memory_space<vmem>>) dst(%dma_wait3A_115 : memref<128x256xf32, #tpu.memory_space<hbm>>)
    %dma_wait3A_116 = arith.constant 0 : i32
    %dma_wait3A_117 = tpu.memref_slice %arg4[%add3A_107, %dma_wait3A_116] : memref<8192x256xf32, #tpu.memory_space<hbm>> -> memref<128x256xf32, #tpu.memory_space<hbm>>
    %dma_wait3A_118 = arith.constant 0 : i32
    %dma_wait3A_119 = tpu.memref_slice %arg4[%add3A_107, %dma_wait3A_118] : memref<8192x256xf32, #tpu.memory_space<hbm>> -> memref<128x256xf32, #tpu.memory_space<hbm>>
    tpu.wait_dma2 semaphore(%arg11 : memref<!tpu.dma_semaphore, #tpu.memory_space<semaphore_mem>>) src(%arg7 : memref<128x256xf32, #tpu.memory_space<vmem>>) dst(%dma_wait3A_119 : memref<128x256xf32, #tpu.memory_space<hbm>>)
    return
  }
}

module attributes {stable_mosaic.version = 14 : i64} {
  func.func @_final_body(%arg0: i32, %arg1: memref<8x128xf32, #tpu.memory_space<vmem>>, %arg2: memref<3x2048xf32, #tpu.memory_space<vmem>>, %arg3: memref<1x2048xi32, #tpu.memory_space<vmem>>, %arg4: memref<1x2048xi32, #tpu.memory_space<vmem>>, %arg5: memref<2048x256xf32, #tpu.memory_space<vmem>>, %arg6: memref<3x64xf32, #tpu.memory_space<vmem>>, %arg7: memref<64xf32, #tpu.memory_space<vmem>>, %arg8: memref<64x128xf32, #tpu.memory_space<vmem>>, %arg9: memref<128xf32, #tpu.memory_space<vmem>>, %arg10: memref<4x16xf32, #tpu.memory_space<vmem>>, %arg11: memref<5x25xf32, #tpu.memory_space<vmem>>, %arg12: memref<425x128xf32, #tpu.memory_space<vmem>>, %arg13: memref<128xf32, #tpu.memory_space<vmem>>, %arg14: memref<2048x128xf32, #tpu.memory_space<vmem>>) attributes {dimension_semantics = [#tpu.dimension_semantics<arbitrary>], iteration_bounds = array<i64: 4>, scalar_prefetch = 0 : i64, scratch_operands = 0 : i64, tpu.core_type = #tpu.core_type<tc>, window_params = [{transform_indices = @transform_0, window_bounds = array<i64: 8, 128>}, {transform_indices = @transform_1, window_bounds = array<i64: 3, 2048>}, {transform_indices = @transform_2, window_bounds = array<i64: 1, 2048>}, {transform_indices = @transform_3, window_bounds = array<i64: 1, 2048>}, {transform_indices = @transform_4, window_bounds = array<i64: 2048, 256>}, {pipeline_mode = #tpu.pipeline_mode<synchronous>, transform_indices = @transform_5, window_bounds = array<i64: 3, 64>}, {pipeline_mode = #tpu.pipeline_mode<synchronous>, transform_indices = @transform_6, window_bounds = array<i64: 64>}, {pipeline_mode = #tpu.pipeline_mode<synchronous>, transform_indices = @transform_7, window_bounds = array<i64: 64, 128>}, {pipeline_mode = #tpu.pipeline_mode<synchronous>, transform_indices = @transform_8, window_bounds = array<i64: 128>}, {pipeline_mode = #tpu.pipeline_mode<synchronous>, transform_indices = @transform_9, window_bounds = array<i64: 4, 16>}, {pipeline_mode = #tpu.pipeline_mode<synchronous>, transform_indices = @transform_10, window_bounds = array<i64: 5, 25>}, {pipeline_mode = #tpu.pipeline_mode<synchronous>, transform_indices = @transform_11, window_bounds = array<i64: 425, 128>}, {pipeline_mode = #tpu.pipeline_mode<synchronous>, transform_indices = @transform_12, window_bounds = array<i64: 128>}, {transform_indices = @transform_13, window_bounds = array<i64: 2048, 128>}]} {
    %get3A = arith.constant 0 : index
    %get3A_0 = arith.constant 0 : index
    %get3A_1 = vector.load %arg2[%get3A, %get3A_0] : memref<3x2048xf32, #tpu.memory_space<vmem>>, vector<3x2048xf32>
    %get3A_2 = arith.constant 0 : index
    %get3A_3 = arith.constant 0 : index
    %get3A_4 = vector.load %arg6[%get3A_2, %get3A_3] : memref<3x64xf32, #tpu.memory_space<vmem>>, vector<3x64xf32>
    %dot_general3A = arith.constant dense<0.000000e+00> : vector<2048x64xf32>
    %dot_general3A_5 = tpu.matmul %get3A_1, %get3A_4, %dot_general3A {dimension_numbers = #tpu.dot_dimension_numbers<[0], [0], [1], [1], [0, 1, 1, 1], [], []>, transpose_lhs_hint = false} : vector<3x2048xf32>, vector<3x64xf32>, vector<2048x64xf32> -> vector<2048x64xf32>
    %get3A_6 = arith.constant 0 : index
    %get3A_7 = vector.load %arg7[%get3A_6] : memref<64xf32, #tpu.memory_space<vmem>>, vector<64xf32>
    %broadcast_in_dim3A = vector.shape_cast %get3A_7 : vector<64xf32> to vector<1x64xf32>
    %add3A = vector.broadcast %broadcast_in_dim3A : vector<1x64xf32> to vector<2048x64xf32>
    %add3A_8 = arith.addf %dot_general3A_5, %add3A : vector<2048x64xf32>
    %gt3A = arith.constant 0.000000e+00 : f32
    %gt3A_9 = vector.broadcast %gt3A : f32 to vector<2048x64xf32>
    %gt3A_10 = arith.cmpf ogt, %add3A_8, %gt3A_9 : vector<2048x64xf32>
    %mul3A = arith.constant 0.00999999977 : f32
    %mul3A_11 = vector.broadcast %mul3A : f32 to vector<2048x64xf32>
    %mul3A_12 = arith.mulf %mul3A_11, %add3A_8 : vector<2048x64xf32>
    %select_n3A = arith.select %gt3A_10, %add3A_8, %mul3A_12 : vector<2048x64xi1>, vector<2048x64xf32>
    %get3A_13 = arith.constant 0 : index
    %get3A_14 = arith.constant 0 : index
    %get3A_15 = vector.load %arg8[%get3A_13, %get3A_14] : memref<64x128xf32, #tpu.memory_space<vmem>>, vector<64x128xf32>
    %dot_general3A_16 = arith.constant dense<0.000000e+00> : vector<2048x128xf32>
    %dot_general3A_17 = tpu.matmul %select_n3A, %get3A_15, %dot_general3A_16 {dimension_numbers = #tpu.dot_dimension_numbers<[1], [0], [0], [1], [0, 0, 1, 1], [], []>, transpose_lhs_hint = false} : vector<2048x64xf32>, vector<64x128xf32>, vector<2048x128xf32> -> vector<2048x128xf32>
    %get3A_18 = arith.constant 0 : index
    %get3A_19 = vector.load %arg9[%get3A_18] : memref<128xf32, #tpu.memory_space<vmem>>, vector<128xf32>
    %broadcast_in_dim3A_20 = vector.shape_cast %get3A_19 : vector<128xf32> to vector<1x128xf32>
    %add3A_21 = vector.broadcast %broadcast_in_dim3A_20 : vector<1x128xf32> to vector<2048x128xf32>
    %add3A_22 = arith.addf %dot_general3A_17, %add3A_21 : vector<2048x128xf32>
    %gt3A_23 = arith.constant 0.000000e+00 : f32
    %gt3A_24 = vector.broadcast %gt3A_23 : f32 to vector<2048x128xf32>
    %gt3A_25 = arith.cmpf ogt, %add3A_22, %gt3A_24 : vector<2048x128xf32>
    %mul3A_26 = arith.constant 0.00999999977 : f32
    %mul3A_27 = vector.broadcast %mul3A_26 : f32 to vector<2048x128xf32>
    %mul3A_28 = arith.mulf %mul3A_27, %add3A_22 : vector<2048x128xf32>
    %select_n3A_29 = arith.select %gt3A_25, %add3A_22, %mul3A_28 : vector<2048x128xi1>, vector<2048x128xf32>
    %get3A_30 = arith.constant 0 : index
    %get3A_31 = arith.constant 0 : index
    %get3A_32 = vector.load %arg12[%get3A_30, %get3A_31] : memref<425x128xf32, #tpu.memory_space<vmem>>, vector<128x128xf32>
    %dot_general3A_33 = arith.constant dense<0.000000e+00> : vector<2048x128xf32>
    %dot_general3A_34 = tpu.matmul %select_n3A_29, %get3A_32, %dot_general3A_33 {dimension_numbers = #tpu.dot_dimension_numbers<[1], [0], [0], [1], [0, 0, 1, 1], [], []>, transpose_lhs_hint = false} : vector<2048x128xf32>, vector<128x128xf32>, vector<2048x128xf32> -> vector<2048x128xf32>
    %get3A_35 = arith.constant 0 : index
    %get3A_36 = arith.constant 0 : index
    %get3A_37 = vector.load %arg5[%get3A_35, %get3A_36] : memref<2048x256xf32, #tpu.memory_space<vmem>>, vector<2048x256xf32>
    %get3A_38 = arith.constant 169 : index
    %get3A_39 = arith.constant 0 : index
    %get3A_40 = vector.load %arg12[%get3A_38, %get3A_39] : memref<425x128xf32, #tpu.memory_space<vmem>>, vector<256x128xf32>
    %dot_general3A_41 = arith.constant dense<0.000000e+00> : vector<2048x128xf32>
    %dot_general3A_42 = tpu.matmul %get3A_37, %get3A_40, %dot_general3A_41 {dimension_numbers = #tpu.dot_dimension_numbers<[1], [0], [0], [1], [0, 0, 1, 1], [], []>, transpose_lhs_hint = false} : vector<2048x256xf32>, vector<256x128xf32>, vector<2048x128xf32> -> vector<2048x128xf32>
    %add3A_43 = arith.addf %dot_general3A_34, %dot_general3A_42 : vector<2048x128xf32>
    %get3A_44 = arith.constant 0 : index
    %get3A_45 = arith.constant 0 : index
    %get3A_46 = vector.load %arg3[%get3A_44, %get3A_45] : memref<1x2048xi32, #tpu.memory_space<vmem>>, vector<1x2048xi32>
    %iota3A = tpu.iota {dimensions = array<i32: 0>} : vector<4x2048xi32>
    %eq3A = vector.broadcast %get3A_46 : vector<1x2048xi32> to vector<4x2048xi32>
    %eq3A_47 = arith.cmpi eq, %eq3A, %iota3A : vector<4x2048xi32>
    %convert_element_type3A = arith.extui %eq3A_47 : vector<4x2048xi1> to vector<4x2048xi32>
    %convert_element_type3A_48 = arith.sitofp %convert_element_type3A : vector<4x2048xi32> to vector<4x2048xf32>
    %get3A_49 = arith.constant 0 : index
    %get3A_50 = arith.constant 0 : index
    %get3A_51 = vector.load %arg10[%get3A_49, %get3A_50] : memref<4x16xf32, #tpu.memory_space<vmem>>, vector<4x16xf32>
    %dot_general3A_52 = arith.constant dense<0.000000e+00> : vector<2048x16xf32>
    %dot_general3A_53 = tpu.matmul %convert_element_type3A_48, %get3A_51, %dot_general3A_52 {dimension_numbers = #tpu.dot_dimension_numbers<[0], [0], [1], [1], [0, 1, 1, 1], [], []>, transpose_lhs_hint = false} : vector<4x2048xf32>, vector<4x16xf32>, vector<2048x16xf32> -> vector<2048x16xf32>
    %get3A_54 = arith.constant 128 : index
    %get3A_55 = arith.constant 0 : index
    %get3A_56 = vector.load %arg12[%get3A_54, %get3A_55] : memref<425x128xf32, #tpu.memory_space<vmem>>, vector<16x128xf32>
    %dot_general3A_57 = arith.constant dense<0.000000e+00> : vector<2048x128xf32>
    %dot_general3A_58 = tpu.matmul %dot_general3A_53, %get3A_56, %dot_general3A_57 {dimension_numbers = #tpu.dot_dimension_numbers<[1], [0], [0], [1], [0, 0, 1, 1], [], []>, transpose_lhs_hint = false} : vector<2048x16xf32>, vector<16x128xf32>, vector<2048x128xf32> -> vector<2048x128xf32>
    %add3A_59 = arith.addf %add3A_43, %dot_general3A_58 : vector<2048x128xf32>
    %get3A_60 = arith.constant 0 : index
    %get3A_61 = arith.constant 0 : index
    %get3A_62 = vector.load %arg4[%get3A_60, %get3A_61] : memref<1x2048xi32, #tpu.memory_space<vmem>>, vector<1x2048xi32>
    %iota3A_63 = tpu.iota {dimensions = array<i32: 0>} : vector<5x2048xi32>
    %eq3A_64 = vector.broadcast %get3A_62 : vector<1x2048xi32> to vector<5x2048xi32>
    %eq3A_65 = arith.cmpi eq, %eq3A_64, %iota3A_63 : vector<5x2048xi32>
    %convert_element_type3A_66 = arith.extui %eq3A_65 : vector<5x2048xi1> to vector<5x2048xi32>
    %convert_element_type3A_67 = arith.sitofp %convert_element_type3A_66 : vector<5x2048xi32> to vector<5x2048xf32>
    %get3A_68 = arith.constant 0 : index
    %get3A_69 = arith.constant 0 : index
    %get3A_70 = vector.load %arg11[%get3A_68, %get3A_69] : memref<5x25xf32, #tpu.memory_space<vmem>>, vector<5x25xf32>
    %dot_general3A_71 = arith.constant dense<0.000000e+00> : vector<2048x25xf32>
    %dot_general3A_72 = tpu.matmul %convert_element_type3A_67, %get3A_70, %dot_general3A_71 {dimension_numbers = #tpu.dot_dimension_numbers<[0], [0], [1], [1], [0, 1, 1, 1], [], []>, transpose_lhs_hint = false} : vector<5x2048xf32>, vector<5x25xf32>, vector<2048x25xf32> -> vector<2048x25xf32>
    %get3A_73 = arith.constant 144 : index
    %get3A_74 = arith.constant 0 : index
    %get3A_75 = vector.load %arg12[%get3A_73, %get3A_74] : memref<425x128xf32, #tpu.memory_space<vmem>>, vector<25x128xf32>
    %dot_general3A_76 = arith.constant dense<0.000000e+00> : vector<2048x128xf32>
    %dot_general3A_77 = tpu.matmul %dot_general3A_72, %get3A_75, %dot_general3A_76 {dimension_numbers = #tpu.dot_dimension_numbers<[1], [0], [0], [1], [0, 0, 1, 1], [], []>, transpose_lhs_hint = false} : vector<2048x25xf32>, vector<25x128xf32>, vector<2048x128xf32> -> vector<2048x128xf32>
    %add3A_78 = arith.addf %add3A_59, %dot_general3A_77 : vector<2048x128xf32>
    %get3A_79 = arith.constant 0 : index
    %get3A_80 = vector.load %arg13[%get3A_79] : memref<128xf32, #tpu.memory_space<vmem>>, vector<128xf32>
    %broadcast_in_dim3A_81 = vector.shape_cast %get3A_80 : vector<128xf32> to vector<1x128xf32>
    %add3A_82 = vector.broadcast %broadcast_in_dim3A_81 : vector<1x128xf32> to vector<2048x128xf32>
    %add3A_83 = arith.addf %add3A_78, %add3A_82 : vector<2048x128xf32>
    %gt3A_84 = arith.constant 0.000000e+00 : f32
    %gt3A_85 = vector.broadcast %gt3A_84 : f32 to vector<2048x128xf32>
    %gt3A_86 = arith.cmpf ogt, %add3A_83, %gt3A_85 : vector<2048x128xf32>
    %mul3A_87 = arith.constant 0.00999999977 : f32
    %mul3A_88 = vector.broadcast %mul3A_87 : f32 to vector<2048x128xf32>
    %mul3A_89 = arith.mulf %mul3A_88, %add3A_83 : vector<2048x128xf32>
    %select_n3A_90 = arith.select %gt3A_86, %add3A_83, %mul3A_89 : vector<2048x128xi1>, vector<2048x128xf32>
    %swap3A = arith.constant 0 : index
    %swap3A_91 = arith.constant 0 : index
    %swap3A_92 = vector.load %arg14[%swap3A, %swap3A_91] : memref<2048x128xf32, #tpu.memory_space<vmem>>, vector<2048x128xf32>
    tpu.vector_store %arg14[%swap3A, %swap3A_91], %select_n3A_90 {strides = array<i32>} : memref<2048x128xf32, #tpu.memory_space<vmem>>, vector<2048x128xf32>,
    return
  }
  func.func @transform_0(%arg0: i32) -> (i32, i32) {
    %c0_i32 = arith.constant 0 : i32
    %c0_i32_0 = arith.constant 0 : i32
    %c0_i32_1 = arith.constant 0 : i32
    return %c0_i32, %c0_i32_0 : i32, i32
  }
  func.func @transform_1(%arg0: i32) -> (i32, i32) {
    %add3A = arith.constant 0 : i32
    %add3A_0 = arith.addi %arg0, %add3A : i32
    %c0_i32 = arith.constant 0 : i32
    %c0_i32_1 = arith.constant 0 : i32
    return %c0_i32, %add3A_0 : i32, i32
  }
  func.func @transform_2(%arg0: i32) -> (i32, i32) {
    %add3A = arith.constant 0 : i32
    %add3A_0 = arith.addi %arg0, %add3A : i32
    %c0_i32 = arith.constant 0 : i32
    %c0_i32_1 = arith.constant 0 : i32
    return %c0_i32, %add3A_0 : i32, i32
  }
  func.func @transform_3(%arg0: i32) -> (i32, i32) {
    %add3A = arith.constant 0 : i32
    %add3A_0 = arith.addi %arg0, %add3A : i32
    %c0_i32 = arith.constant 0 : i32
    %c0_i32_1 = arith.constant 0 : i32
    return %c0_i32, %add3A_0 : i32, i32
  }
  func.func @transform_4(%arg0: i32) -> (i32, i32) {
    %c0_i32 = arith.constant 0 : i32
    %c0_i32_0 = arith.constant 0 : i32
    return %arg0, %c0_i32 : i32, i32
  }
  func.func @transform_5(%arg0: i32) -> (i32, i32) {
    %c0_i32 = arith.constant 0 : i32
    %c0_i32_0 = arith.constant 0 : i32
    %c0_i32_1 = arith.constant 0 : i32
    return %c0_i32, %c0_i32_0 : i32, i32
  }
  func.func @transform_6(%arg0: i32) -> i32 {
    %c0_i32 = arith.constant 0 : i32
    %c0_i32_0 = arith.constant 0 : i32
    return %c0_i32 : i32
  }
  func.func @transform_7(%arg0: i32) -> (i32, i32) {
    %c0_i32 = arith.constant 0 : i32
    %c0_i32_0 = arith.constant 0 : i32
    %c0_i32_1 = arith.constant 0 : i32
    return %c0_i32, %c0_i32_0 : i32, i32
  }
  func.func @transform_8(%arg0: i32) -> i32 {
    %c0_i32 = arith.constant 0 : i32
    %c0_i32_0 = arith.constant 0 : i32
    return %c0_i32 : i32
  }
  func.func @transform_9(%arg0: i32) -> (i32, i32) {
    %c0_i32 = arith.constant 0 : i32
    %c0_i32_0 = arith.constant 0 : i32
    %c0_i32_1 = arith.constant 0 : i32
    return %c0_i32, %c0_i32_0 : i32, i32
  }
  func.func @transform_10(%arg0: i32) -> (i32, i32) {
    %c0_i32 = arith.constant 0 : i32
    %c0_i32_0 = arith.constant 0 : i32
    %c0_i32_1 = arith.constant 0 : i32
    return %c0_i32, %c0_i32_0 : i32, i32
  }
  func.func @transform_11(%arg0: i32) -> (i32, i32) {
    %c0_i32 = arith.constant 0 : i32
    %c0_i32_0 = arith.constant 0 : i32
    %c0_i32_1 = arith.constant 0 : i32
    return %c0_i32, %c0_i32_0 : i32, i32
  }
  func.func @transform_12(%arg0: i32) -> i32 {
    %c0_i32 = arith.constant 0 : i32
    %c0_i32_0 = arith.constant 0 : i32
    return %c0_i32 : i32
  }
  func.func @transform_13(%arg0: i32) -> (i32, i32) {
    %add3A = arith.constant 0 : i32
    %add3A_0 = arith.addi %arg0, %add3A : i32
    %c0_i32 = arith.constant 0 : i32
    %c0_i32_1 = arith.constant 0 : i32
    return %add3A_0, %c0_i32 : i32, i32
  }
}

module attributes {stable_mosaic.version = 14 : i64} {
  func.func @_prep_body(%arg0: i32, %arg1: memref<1x16384xi32, #tpu.memory_space<vmem>>, %arg2: memref<128x128xi32, #tpu.memory_space<vmem>>, %arg3: memref<8x128xf32, #tpu.memory_space<vmem>>) attributes {dimension_semantics = [#tpu.dimension_semantics<arbitrary>], iteration_bounds = array<i64: 1>, scalar_prefetch = 0 : i64, scratch_operands = 0 : i64, tpu.core_type = #tpu.core_type<tc>, window_params = [{pipeline_mode = #tpu.pipeline_mode<synchronous>, transform_indices = @transform_0, window_bounds = array<i64: 1, 16384>}, {pipeline_mode = #tpu.pipeline_mode<synchronous>, transform_indices = @transform_1, window_bounds = array<i64: 128, 128>}, {transform_indices = @transform_2, window_bounds = array<i64: 8, 128>}]} {
    %get3A = arith.constant 0 : index
    %get3A_0 = arith.constant 0 : index
    %get3A_1 = vector.load %arg1[%get3A, %get3A_0] : memref<1x16384xi32, #tpu.memory_space<vmem>>, vector<1x16384xi32>
    %reshape3A = vector.shape_cast %get3A_1 : vector<1x16384xi32> to vector<128x128xi32>
    %swap3A = arith.constant 0 : index
    %swap3A_2 = arith.constant 0 : index
    %swap3A_3 = vector.load %arg2[%swap3A, %swap3A_2] : memref<128x128xi32, #tpu.memory_space<vmem>>, vector<128x128xi32>
    tpu.vector_store %arg2[%swap3A, %swap3A_2], %reshape3A {strides = array<i32>} : memref<128x128xi32, #tpu.memory_space<vmem>>, vector<128x128xi32>,
    %broadcast_in_dim3A = arith.constant 0.000000e+00 : f32
    %broadcast_in_dim3A_4 = vector.broadcast %broadcast_in_dim3A : f32 to vector<8x128xf32>
    %swap3A_5 = arith.constant 0 : index
    %swap3A_6 = arith.constant 0 : index
    %swap3A_7 = vector.load %arg3[%swap3A_5, %swap3A_6] : memref<8x128xf32, #tpu.memory_space<vmem>>, vector<8x128xf32>
    tpu.vector_store %arg3[%swap3A_5, %swap3A_6], %broadcast_in_dim3A_4 {strides = array<i32>} : memref<8x128xf32, #tpu.memory_space<vmem>>, vector<8x128xf32>,
    return
  }
  func.func @transform_0(%arg0: i32) -> (i32, i32) {
    %c0_i32 = arith.constant 0 : i32
    %c0_i32_0 = arith.constant 0 : i32
    %c0_i32_1 = arith.constant 0 : i32
    return %c0_i32, %c0_i32_0 : i32, i32
  }
  func.func @transform_1(%arg0: i32) -> (i32, i32) {
    %c0_i32 = arith.constant 0 : i32
    %c0_i32_0 = arith.constant 0 : i32
    %c0_i32_1 = arith.constant 0 : i32
    return %c0_i32, %c0_i32_0 : i32, i32
  }
  func.func @transform_2(%arg0: i32) -> (i32, i32) {
    %c0_i32 = arith.constant 0 : i32
    %c0_i32_0 = arith.constant 0 : i32
    %c0_i32_1 = arith.constant 0 : i32
    return %c0_i32, %c0_i32_0 : i32, i32
  }
}

module attributes {stable_mosaic.version = 14 : i64} {
  func.func @_final_body(%arg0: i32, %arg1: memref<8x128xf32, #tpu.memory_space<vmem>>, %arg2: memref<3x2048xf32, #tpu.memory_space<vmem>>, %arg3: memref<1x2048xi32, #tpu.memory_space<vmem>>, %arg4: memref<1x2048xi32, #tpu.memory_space<vmem>>, %arg5: memref<2048x256xf32, #tpu.memory_space<vmem>>, %arg6: memref<3x64xf32, #tpu.memory_space<vmem>>, %arg7: memref<64xf32, #tpu.memory_space<vmem>>, %arg8: memref<64x128xf32, #tpu.memory_space<vmem>>, %arg9: memref<128xf32, #tpu.memory_space<vmem>>, %arg10: memref<4x16xf32, #tpu.memory_space<vmem>>, %arg11: memref<5x25xf32, #tpu.memory_space<vmem>>, %arg12: memref<425x128xf32, #tpu.memory_space<vmem>>, %arg13: memref<128xf32, #tpu.memory_space<vmem>>, %arg14: memref<2048x128xf32, #tpu.memory_space<vmem>>) attributes {dimension_semantics = [#tpu.dimension_semantics<arbitrary>], iteration_bounds = array<i64: 4>, scalar_prefetch = 0 : i64, scratch_operands = 0 : i64, tpu.core_type = #tpu.core_type<tc>, window_params = [{transform_indices = @transform_0, window_bounds = array<i64: 8, 128>}, {transform_indices = @transform_1, window_bounds = array<i64: 3, 2048>}, {transform_indices = @transform_2, window_bounds = array<i64: 1, 2048>}, {transform_indices = @transform_3, window_bounds = array<i64: 1, 2048>}, {transform_indices = @transform_4, window_bounds = array<i64: 2048, 256>}, {pipeline_mode = #tpu.pipeline_mode<synchronous>, transform_indices = @transform_5, window_bounds = array<i64: 3, 64>}, {pipeline_mode = #tpu.pipeline_mode<synchronous>, transform_indices = @transform_6, window_bounds = array<i64: 64>}, {pipeline_mode = #tpu.pipeline_mode<synchronous>, transform_indices = @transform_7, window_bounds = array<i64: 64, 128>}, {pipeline_mode = #tpu.pipeline_mode<synchronous>, transform_indices = @transform_8, window_bounds = array<i64: 128>}, {pipeline_mode = #tpu.pipeline_mode<synchronous>, transform_indices = @transform_9, window_bounds = array<i64: 4, 16>}, {pipeline_mode = #tpu.pipeline_mode<synchronous>, transform_indices = @transform_10, window_bounds = array<i64: 5, 25>}, {pipeline_mode = #tpu.pipeline_mode<synchronous>, transform_indices = @transform_11, window_bounds = array<i64: 425, 128>}, {pipeline_mode = #tpu.pipeline_mode<synchronous>, transform_indices = @transform_12, window_bounds = array<i64: 128>}, {transform_indices = @transform_13, window_bounds = array<i64: 2048, 128>}]} {
    %get3A = arith.constant 0 : index
    %get3A_0 = arith.constant 0 : index
    %get3A_1 = vector.load %arg2[%get3A, %get3A_0] : memref<3x2048xf32, #tpu.memory_space<vmem>>, vector<3x2048xf32>
    %get3A_2 = arith.constant 0 : index
    %get3A_3 = arith.constant 0 : index
    %get3A_4 = vector.load %arg6[%get3A_2, %get3A_3] : memref<3x64xf32, #tpu.memory_space<vmem>>, vector<3x64xf32>
    %dot_general3A = arith.constant dense<0.000000e+00> : vector<2048x64xf32>
    %dot_general3A_5 = tpu.matmul %get3A_1, %get3A_4, %dot_general3A {dimension_numbers = #tpu.dot_dimension_numbers<[0], [0], [1], [1], [0, 1, 1, 1], [], []>, transpose_lhs_hint = false} : vector<3x2048xf32>, vector<3x64xf32>, vector<2048x64xf32> -> vector<2048x64xf32>
    %get3A_6 = arith.constant 0 : index
    %get3A_7 = vector.load %arg7[%get3A_6] : memref<64xf32, #tpu.memory_space<vmem>>, vector<64xf32>
    %broadcast_in_dim3A = vector.shape_cast %get3A_7 : vector<64xf32> to vector<1x64xf32>
    %add3A = vector.broadcast %broadcast_in_dim3A : vector<1x64xf32> to vector<2048x64xf32>
    %add3A_8 = arith.addf %dot_general3A_5, %add3A : vector<2048x64xf32>
    %gt3A = arith.constant 0.000000e+00 : f32
    %gt3A_9 = vector.broadcast %gt3A : f32 to vector<2048x64xf32>
    %gt3A_10 = arith.cmpf ogt, %add3A_8, %gt3A_9 : vector<2048x64xf32>
    %mul3A = arith.constant 0.00999999977 : f32
    %mul3A_11 = vector.broadcast %mul3A : f32 to vector<2048x64xf32>
    %mul3A_12 = arith.mulf %mul3A_11, %add3A_8 : vector<2048x64xf32>
    %select_n3A = arith.select %gt3A_10, %add3A_8, %mul3A_12 : vector<2048x64xi1>, vector<2048x64xf32>
    %get3A_13 = arith.constant 0 : index
    %get3A_14 = arith.constant 0 : index
    %get3A_15 = vector.load %arg8[%get3A_13, %get3A_14] : memref<64x128xf32, #tpu.memory_space<vmem>>, vector<64x128xf32>
    %dot_general3A_16 = arith.constant dense<0.000000e+00> : vector<2048x128xf32>
    %dot_general3A_17 = tpu.matmul %select_n3A, %get3A_15, %dot_general3A_16 {dimension_numbers = #tpu.dot_dimension_numbers<[1], [0], [0], [1], [0, 0, 1, 1], [], []>, transpose_lhs_hint = false} : vector<2048x64xf32>, vector<64x128xf32>, vector<2048x128xf32> -> vector<2048x128xf32>
    %get3A_18 = arith.constant 0 : index
    %get3A_19 = vector.load %arg9[%get3A_18] : memref<128xf32, #tpu.memory_space<vmem>>, vector<128xf32>
    %broadcast_in_dim3A_20 = vector.shape_cast %get3A_19 : vector<128xf32> to vector<1x128xf32>
    %add3A_21 = vector.broadcast %broadcast_in_dim3A_20 : vector<1x128xf32> to vector<2048x128xf32>
    %add3A_22 = arith.addf %dot_general3A_17, %add3A_21 : vector<2048x128xf32>
    %gt3A_23 = arith.constant 0.000000e+00 : f32
    %gt3A_24 = vector.broadcast %gt3A_23 : f32 to vector<2048x128xf32>
    %gt3A_25 = arith.cmpf ogt, %add3A_22, %gt3A_24 : vector<2048x128xf32>
    %mul3A_26 = arith.constant 0.00999999977 : f32
    %mul3A_27 = vector.broadcast %mul3A_26 : f32 to vector<2048x128xf32>
    %mul3A_28 = arith.mulf %mul3A_27, %add3A_22 : vector<2048x128xf32>
    %select_n3A_29 = arith.select %gt3A_25, %add3A_22, %mul3A_28 : vector<2048x128xi1>, vector<2048x128xf32>
    %get3A_30 = arith.constant 0 : index
    %get3A_31 = arith.constant 0 : index
    %get3A_32 = vector.load %arg12[%get3A_30, %get3A_31] : memref<425x128xf32, #tpu.memory_space<vmem>>, vector<128x128xf32>
    %dot_general3A_33 = arith.constant dense<0.000000e+00> : vector<2048x128xf32>
    %dot_general3A_34 = tpu.matmul %select_n3A_29, %get3A_32, %dot_general3A_33 {dimension_numbers = #tpu.dot_dimension_numbers<[1], [0], [0], [1], [0, 0, 1, 1], [], []>, transpose_lhs_hint = false} : vector<2048x128xf32>, vector<128x128xf32>, vector<2048x128xf32> -> vector<2048x128xf32>
    %get3A_35 = arith.constant 0 : index
    %get3A_36 = arith.constant 0 : index
    %get3A_37 = vector.load %arg5[%get3A_35, %get3A_36] : memref<2048x256xf32, #tpu.memory_space<vmem>>, vector<2048x256xf32>
    %get3A_38 = arith.constant 169 : index
    %get3A_39 = arith.constant 0 : index
    %get3A_40 = vector.load %arg12[%get3A_38, %get3A_39] : memref<425x128xf32, #tpu.memory_space<vmem>>, vector<256x128xf32>
    %dot_general3A_41 = arith.constant dense<0.000000e+00> : vector<2048x128xf32>
    %dot_general3A_42 = tpu.matmul %get3A_37, %get3A_40, %dot_general3A_41 {dimension_numbers = #tpu.dot_dimension_numbers<[1], [0], [0], [1], [0, 0, 1, 1], [], []>, transpose_lhs_hint = false} : vector<2048x256xf32>, vector<256x128xf32>, vector<2048x128xf32> -> vector<2048x128xf32>
    %add3A_43 = arith.addf %dot_general3A_34, %dot_general3A_42 : vector<2048x128xf32>
    %get3A_44 = arith.constant 0 : index
    %get3A_45 = arith.constant 0 : index
    %get3A_46 = vector.load %arg3[%get3A_44, %get3A_45] : memref<1x2048xi32, #tpu.memory_space<vmem>>, vector<1x2048xi32>
    %iota3A = tpu.iota {dimensions = array<i32: 0>} : vector<4x2048xi32>
    %eq3A = vector.broadcast %get3A_46 : vector<1x2048xi32> to vector<4x2048xi32>
    %eq3A_47 = arith.cmpi eq, %eq3A, %iota3A : vector<4x2048xi32>
    %convert_element_type3A = arith.extui %eq3A_47 : vector<4x2048xi1> to vector<4x2048xi32>
    %convert_element_type3A_48 = arith.sitofp %convert_element_type3A : vector<4x2048xi32> to vector<4x2048xf32>
    %get3A_49 = arith.constant 0 : index
    %get3A_50 = arith.constant 0 : index
    %get3A_51 = vector.load %arg10[%get3A_49, %get3A_50] : memref<4x16xf32, #tpu.memory_space<vmem>>, vector<4x16xf32>
    %dot_general3A_52 = arith.constant dense<0.000000e+00> : vector<2048x16xf32>
    %dot_general3A_53 = tpu.matmul %convert_element_type3A_48, %get3A_51, %dot_general3A_52 {dimension_numbers = #tpu.dot_dimension_numbers<[0], [0], [1], [1], [0, 1, 1, 1], [], []>, transpose_lhs_hint = false} : vector<4x2048xf32>, vector<4x16xf32>, vector<2048x16xf32> -> vector<2048x16xf32>
    %get3A_54 = arith.constant 128 : index
    %get3A_55 = arith.constant 0 : index
    %get3A_56 = vector.load %arg12[%get3A_54, %get3A_55] : memref<425x128xf32, #tpu.memory_space<vmem>>, vector<16x128xf32>
    %dot_general3A_57 = arith.constant dense<0.000000e+00> : vector<2048x128xf32>
    %dot_general3A_58 = tpu.matmul %dot_general3A_53, %get3A_56, %dot_general3A_57 {dimension_numbers = #tpu.dot_dimension_numbers<[1], [0], [0], [1], [0, 0, 1, 1], [], []>, transpose_lhs_hint = false} : vector<2048x16xf32>, vector<16x128xf32>, vector<2048x128xf32> -> vector<2048x128xf32>
    %add3A_59 = arith.addf %add3A_43, %dot_general3A_58 : vector<2048x128xf32>
    %get3A_60 = arith.constant 0 : index
    %get3A_61 = arith.constant 0 : index
    %get3A_62 = vector.load %arg4[%get3A_60, %get3A_61] : memref<1x2048xi32, #tpu.memory_space<vmem>>, vector<1x2048xi32>
    %iota3A_63 = tpu.iota {dimensions = array<i32: 0>} : vector<5x2048xi32>
    %eq3A_64 = vector.broadcast %get3A_62 : vector<1x2048xi32> to vector<5x2048xi32>
    %eq3A_65 = arith.cmpi eq, %eq3A_64, %iota3A_63 : vector<5x2048xi32>
    %convert_element_type3A_66 = arith.extui %eq3A_65 : vector<5x2048xi1> to vector<5x2048xi32>
    %convert_element_type3A_67 = arith.sitofp %convert_element_type3A_66 : vector<5x2048xi32> to vector<5x2048xf32>
    %get3A_68 = arith.constant 0 : index
    %get3A_69 = arith.constant 0 : index
    %get3A_70 = vector.load %arg11[%get3A_68, %get3A_69] : memref<5x25xf32, #tpu.memory_space<vmem>>, vector<5x25xf32>
    %dot_general3A_71 = arith.constant dense<0.000000e+00> : vector<2048x25xf32>
    %dot_general3A_72 = tpu.matmul %convert_element_type3A_67, %get3A_70, %dot_general3A_71 {dimension_numbers = #tpu.dot_dimension_numbers<[0], [0], [1], [1], [0, 1, 1, 1], [], []>, transpose_lhs_hint = false} : vector<5x2048xf32>, vector<5x25xf32>, vector<2048x25xf32> -> vector<2048x25xf32>
    %get3A_73 = arith.constant 144 : index
    %get3A_74 = arith.constant 0 : index
    %get3A_75 = vector.load %arg12[%get3A_73, %get3A_74] : memref<425x128xf32, #tpu.memory_space<vmem>>, vector<25x128xf32>
    %dot_general3A_76 = arith.constant dense<0.000000e+00> : vector<2048x128xf32>
    %dot_general3A_77 = tpu.matmul %dot_general3A_72, %get3A_75, %dot_general3A_76 {dimension_numbers = #tpu.dot_dimension_numbers<[1], [0], [0], [1], [0, 0, 1, 1], [], []>, transpose_lhs_hint = false} : vector<2048x25xf32>, vector<25x128xf32>, vector<2048x128xf32> -> vector<2048x128xf32>
    %add3A_78 = arith.addf %add3A_59, %dot_general3A_77 : vector<2048x128xf32>
    %get3A_79 = arith.constant 0 : index
    %get3A_80 = vector.load %arg13[%get3A_79] : memref<128xf32, #tpu.memory_space<vmem>>, vector<128xf32>
    %broadcast_in_dim3A_81 = vector.shape_cast %get3A_80 : vector<128xf32> to vector<1x128xf32>
    %add3A_82 = vector.broadcast %broadcast_in_dim3A_81 : vector<1x128xf32> to vector<2048x128xf32>
    %add3A_83 = arith.addf %add3A_78, %add3A_82 : vector<2048x128xf32>
    %gt3A_84 = arith.constant 0.000000e+00 : f32
    %gt3A_85 = vector.broadcast %gt3A_84 : f32 to vector<2048x128xf32>
    %gt3A_86 = arith.cmpf ogt, %add3A_83, %gt3A_85 : vector<2048x128xf32>
    %mul3A_87 = arith.constant 0.00999999977 : f32
    %mul3A_88 = vector.broadcast %mul3A_87 : f32 to vector<2048x128xf32>
    %mul3A_89 = arith.mulf %mul3A_88, %add3A_83 : vector<2048x128xf32>
    %select_n3A_90 = arith.select %gt3A_86, %add3A_83, %mul3A_89 : vector<2048x128xi1>, vector<2048x128xf32>
    %swap3A = arith.constant 0 : index
    %swap3A_91 = arith.constant 0 : index
    %swap3A_92 = vector.load %arg14[%swap3A, %swap3A_91] : memref<2048x128xf32, #tpu.memory_space<vmem>>, vector<2048x128xf32>
    tpu.vector_store %arg14[%swap3A, %swap3A_91], %select_n3A_90 {strides = array<i32>} : memref<2048x128xf32, #tpu.memory_space<vmem>>, vector<2048x128xf32>,
    return
  }
  func.func @transform_0(%arg0: i32) -> (i32, i32) {
    %c0_i32 = arith.constant 0 : i32
    %c0_i32_0 = arith.constant 0 : i32
    %c0_i32_1 = arith.constant 0 : i32
    return %c0_i32, %c0_i32_0 : i32, i32
  }
  func.func @transform_1(%arg0: i32) -> (i32, i32) {
    %add3A = arith.constant 4 : i32
    %add3A_0 = arith.addi %arg0, %add3A : i32
    %c0_i32 = arith.constant 0 : i32
    %c0_i32_1 = arith.constant 0 : i32
    return %c0_i32, %add3A_0 : i32, i32
  }
  func.func @transform_2(%arg0: i32) -> (i32, i32) {
    %add3A = arith.constant 4 : i32
    %add3A_0 = arith.addi %arg0, %add3A : i32
    %c0_i32 = arith.constant 0 : i32
    %c0_i32_1 = arith.constant 0 : i32
    return %c0_i32, %add3A_0 : i32, i32
  }
  func.func @transform_3(%arg0: i32) -> (i32, i32) {
    %add3A = arith.constant 4 : i32
    %add3A_0 = arith.addi %arg0, %add3A : i32
    %c0_i32 = arith.constant 0 : i32
    %c0_i32_1 = arith.constant 0 : i32
    return %c0_i32, %add3A_0 : i32, i32
  }
  func.func @transform_4(%arg0: i32) -> (i32, i32) {
    %c0_i32 = arith.constant 0 : i32
    %c0_i32_0 = arith.constant 0 : i32
    return %arg0, %c0_i32 : i32, i32
  }
  func.func @transform_5(%arg0: i32) -> (i32, i32) {
    %c0_i32 = arith.constant 0 : i32
    %c0_i32_0 = arith.constant 0 : i32
    %c0_i32_1 = arith.constant 0 : i32
    return %c0_i32, %c0_i32_0 : i32, i32
  }
  func.func @transform_6(%arg0: i32) -> i32 {
    %c0_i32 = arith.constant 0 : i32
    %c0_i32_0 = arith.constant 0 : i32
    return %c0_i32 : i32
  }
  func.func @transform_7(%arg0: i32) -> (i32, i32) {
    %c0_i32 = arith.constant 0 : i32
    %c0_i32_0 = arith.constant 0 : i32
    %c0_i32_1 = arith.constant 0 : i32
    return %c0_i32, %c0_i32_0 : i32, i32
  }
  func.func @transform_8(%arg0: i32) -> i32 {
    %c0_i32 = arith.constant 0 : i32
    %c0_i32_0 = arith.constant 0 : i32
    return %c0_i32 : i32
  }
  func.func @transform_9(%arg0: i32) -> (i32, i32) {
    %c0_i32 = arith.constant 0 : i32
    %c0_i32_0 = arith.constant 0 : i32
    %c0_i32_1 = arith.constant 0 : i32
    return %c0_i32, %c0_i32_0 : i32, i32
  }
  func.func @transform_10(%arg0: i32) -> (i32, i32) {
    %c0_i32 = arith.constant 0 : i32
    %c0_i32_0 = arith.constant 0 : i32
    %c0_i32_1 = arith.constant 0 : i32
    return %c0_i32, %c0_i32_0 : i32, i32
  }
  func.func @transform_11(%arg0: i32) -> (i32, i32) {
    %c0_i32 = arith.constant 0 : i32
    %c0_i32_0 = arith.constant 0 : i32
    %c0_i32_1 = arith.constant 0 : i32
    return %c0_i32, %c0_i32_0 : i32, i32
  }
  func.func @transform_12(%arg0: i32) -> i32 {
    %c0_i32 = arith.constant 0 : i32
    %c0_i32_0 = arith.constant 0 : i32
    return %c0_i32 : i32
  }
  func.func @transform_13(%arg0: i32) -> (i32, i32) {
    %add3A = arith.constant 4 : i32
    %add3A_0 = arith.addi %arg0, %add3A : i32
    %c0_i32 = arith.constant 0 : i32
    %c0_i32_1 = arith.constant 0 : i32
    return %add3A_0, %c0_i32 : i32, i32
  }
}

</mosaic_0001>

<sc_bundles>
// kernel: kernel.10.cloned.1.call-start
scs
__scs_entry_jumppad:
0x0: {  	(pc) =	sbr.rel $0x88, $3  }
0x1: {  	(tag) =	ssettag $0x0;
	lr =	simm.s32 $0x1  }
0x2: {  	[smem:$0x3F94] =	sst lr;
	_ =	strace $0xD0000000  }
0x3: {  	_ = 	snop  }
0x4: {  	_ = 	snop  }
0x5: {  	_ = 	snop  }
0x6: {  	_ = 	snop  }
0x7: {  	_ = 	snop  }
__scs_overlays_trampoline_lowered:
0x8: {  	[smem:$0x3FA3] =	sst s0  }
0x9: {  	[smem:$0x3FA4] =	sst s1  }
0xa: {  	[smem:$0x3FA5] =	sst s2  }
0xb: {  	[smem:$0x3FA6] =	sst s3  }
0xc: {  	[smem:$0x3FA7] =	sst s4  }
0xd: {  	[smem:$0x3FA8] =	sst s5  }
0xe: {  	[smem:$0x3FA9] =	sst s6  }
0xf: {  	[smem:$0x3FAA] =	sst s7  }
0x10: {  	[smem:$0x3FAB] =	sst s8  }
0x11: {  	[smem:$0x3FAC] =	sst s9;
	s0 =	simm.s32 @!p0 $0x0  }
0x12: {  	s1 =	sld [smem:$0x3F92];
	s0 =	simm.s32 @p0 $0x1  }
0x13: {  	[smem:$0x3FAD] =	sst s0;
	s0 =	simm.s32 @!p1 $0x0  }
0x14: {  	s2 =	sld [smem:$0x3F91];
	s0 =	simm.s32 @p1 $0x1  }
0x15: {  	[smem:$0x3FAE] =	sst s0;
	s0 =	simm.s32 @!p2 $0x0  }
0x16: {  	s3 =	sld [smem:$0x3FDB];
	s0 =	simm.s32 @p2 $0x1  }
0x17: {  	s4 =	simm.s32 $0x1BF5;
	[smem:$0x3FB0] =	sst s0  }
0x18: {  	s0 =	sld [smem:$0x3F93];
	_ =	swait.ge [sflag:s4], $0x0  }
0x19: {  	s7 =	sld [smem:$0x3F94]  }
0x1a: {  	s8 =	sadd.s32 $0xFFFFE003, lr  }
0x1b: {  	s9 =	sadd.s32 $0xFFFFFEF7, lr;
	s5 =	simm.s32 $0xFFFFFFFF;
	p2 =	slt.u32 s8, $0xFFFFF086  }
0x1c: {  	p1 =	slt.u32 s9, $0xF7A;
	s5 =	simm.s32 @!p2 $0x0  }
0x1d: {  	s5 =	simm.s32 @p1 $0x1;
	p0 =	seq.s32 s7, s2  }
0x1e: {  	s7 =	smul.u32 @!p0 $0xF7A, s2;
	p2 =	seq.s32 @!p0 s5, $0x0  }
0x1f: {  	s9 =	smul.u32 $0xF7A, s1;
	s8 =	simm.s32 @!p0 $0x1BF5;
	p2 =	por !p2, p0  }
0x20: {  	[sflag:s8] =	ssyncset.s32 @!p0 $0xFFFFF086;
	s6 =	sadd.s32 @!p0 s3, s7;
	s7 =	simm.s32 @!p0 $0x108  }
0x21: {  	s3 =	sadd.s32 s3, s9;
	s6 =	sadd.s32 @!p0 $0x88, s6;
	s7 =	simm.s32 @p2 $0x1082  }
0x22: {  	[simem:s7], [sflag:s8] =	dma.local @!p0 [hbm:s6], $0xF7A  }
0x23: {  	s9 =	sor.u32 $0xD0000000, s2;
	s6 =	simm.s32 $0x108;
	_ =	swait.ge @!p0 [sflag:s8], $0x0  }
0x24: {  	s3 =	sadd.s32 $0x88, s3;
	s6 =	simm.s32 @!p1 $0x1082;
	[sflag:s4] =	ssyncset.s32 $0xFFFFF086  }
0x25: {  	[simem:s6], [sflag:s4] =	dma.local [hbm:s3], $0xF7A  }
0x26: {  	[smem:$0x3F94] =	sst s1;
	(tag) =	ssettag s2;
	_ =	strace s9  }
0x27: {  	s1 =	sld [smem:$0x3FA4]  }
0x28: {  	s2 =	sld [smem:$0x3FA5]  }
0x29: {  	s4 =	sld [smem:$0x3FA7]  }
0x2a: {  	p0 =	seq.s32 s5, $0x0;
	s5 =	sld [smem:$0x3FA8]  }
0x2b: {  	s6 =	sld [smem:$0x3FA9]  }
0x2c: {  	s7 =	sld [smem:$0x3FAA]  }
0x2d: {  	s3 =	simm.s32 $0x108;
	s8 =	sld [smem:$0x3FAB]  }
0x2e: {  	s3 =	simm.s32 @!p0 $0x1082;
	s9 =	sld [smem:$0x3FAC]  }
0x2f: {  	lr =	sadd.s32 s0, s3;
	s0 =	sld [smem:$0x3FA3]  }
0x30: {  	s3 =	sld [smem:$0x3FA6]  }
0x31: {  	[smem:$0x3FAF] =	sst s10  }
0x32: {  	s10 =	sld [smem:$0x3FAD];
	_ =	sdelay $0x3  }
0x33: {  	p0 =	seq.s32 s10, $0x1;
	s10 =	sld [smem:$0x3FAF];
	_ =	sdelay $0x3  }
0x34: {  	[smem:$0x3FAF] =	sst s10  }
0x35: {  	s10 =	sld [smem:$0x3FAE];
	_ =	sdelay $0x3  }
0x36: {  	p1 =	seq.s32 s10, $0x1;
	s10 =	sld [smem:$0x3FAF];
	_ =	sdelay $0x3  }
0x37: {  	[smem:$0x3FAF] =	sst s10  }
0x38: {  	s10 =	sld [smem:$0x3FB0]  }
0x39: {  	_ = 	snop;
	(pc) =	sbr.ind lr, $3  }
0x3a: {  	_ = 	snop  }
0x3b: {  	_ = 	snop  }
0x3c: {  	p2 =	seq.s32 s10, $0x1;
	s10 =	sld [smem:$0x3FAF]  }
0x3d: {  	_ =	shalt  }
0x3e: {  	_ =	shalt  }
0x3f: {  	_ =	shalt  }
0x40: {  	_ =	shalt  }
0x41: {  	_ =	shalt  }
0x42: {  	_ =	shalt  }
0x43: {  	_ =	shalt  }
0x44: {  	_ =	shalt  }
0x45: {  	_ =	shalt  }
0x46: {  	_ =	shalt  }
0x47: {  	_ =	shalt  }
0x48: {  	_ =	shalt  }
0x49: {  	_ =	shalt  }
0x4a: {  	_ =	shalt  }
0x4b: {  	_ =	shalt  }
0x4c: {  	_ =	shalt  }
0x4d: {  	_ =	shalt  }
0x4e: {  	_ =	shalt  }
0x4f: {  	_ =	shalt  }
0x50: {  	_ =	shalt  }
0x51: {  	_ =	shalt  }
0x52: {  	_ =	shalt  }
0x53: {  	_ =	shalt  }
0x54: {  	_ =	shalt  }
0x55: {  	_ =	shalt  }
0x56: {  	_ =	shalt  }
0x57: {  	_ =	shalt  }
0x58: {  	_ =	shalt  }
0x59: {  	_ =	shalt  }
0x5a: {  	_ =	shalt  }
0x5b: {  	_ =	shalt  }
0x5c: {  	_ =	shalt  }
0x5d: {  	_ =	shalt  }
0x5e: {  	_ =	shalt  }
0x5f: {  	_ =	shalt  }
0x60: {  	_ =	shalt  }
0x61: {  	_ =	shalt  }
0x62: {  	_ =	shalt  }
0x63: {  	_ =	shalt  }
0x64: {  	_ =	shalt  }
0x65: {  	_ =	shalt  }
0x66: {  	_ =	shalt  }
0x67: {  	_ =	shalt  }
0x68: {  	_ =	shalt  }
0x69: {  	_ =	shalt  }
0x6a: {  	_ =	shalt  }
0x6b: {  	_ =	shalt  }
0x6c: {  	_ =	shalt  }
0x6d: {  	_ =	shalt  }
0x6e: {  	_ =	shalt  }
0x6f: {  	_ =	shalt  }
0x70: {  	_ =	shalt  }
0x71: {  	_ =	shalt  }
0x72: {  	_ =	shalt  }
0x73: {  	_ =	shalt  }
0x74: {  	_ =	shalt  }
0x75: {  	_ =	shalt  }
0x76: {  	_ =	shalt  }
0x77: {  	_ =	shalt  }
0x78: {  	_ =	shalt  }
0x79: {  	_ =	shalt  }
0x7a: {  	_ =	shalt  }
0x7b: {  	_ =	shalt  }
0x7c: {  	_ =	shalt  }
0x7d: {  	_ =	shalt  }
0x7e: {  	_ =	shalt  }
0x7f: {  	_ =	shalt  }
0x80: {  	_ =	shalt  }
0x81: {  	_ =	shalt  }
0x82: {  	_ =	shalt  }
0x83: {  	_ =	shalt  }
0x84: {  	_ =	shalt  }
0x85: {  	_ =	shalt  }
0x86: {  	_ =	shalt  }
0x87: {  	_ =	shalt  }
.Lfunc_end0:
.L_simem_size_0:
called_computation.1_lowered:
.L_overlay_start_0:
0x88: {  	s2 =	sld [smem:$0x3FD9]  }
0x89: {  	s3 =	sld [smem:$0x3FFE];
	_ =	sdelay $0x1  }
0x8a: {  	s1 =	srdreg.scid  }
0x8b: {  	s0 =	sand.u32 $0x1, s1  }
0x8c: {  	s17 =	sshll.u32 s0, $0xA;
	s2 =	sadd.s32 s3, s2  }
0x8d: {  	s2 =	sadd.s32 s2, s17  }
0x8e: {  	[smem:$0x3FBB] =	sst s2  }
0x8f: {  	_ = 	snop  }
0x90: {  	s18 =	sld [smem:$0x3FBF];
	(tm) =	ssettm $0x1  }
0x91: {  	s19 =	sld [smem:$0x3FFB];
	_ =	sdelay $0x3  }
0x92: {  	_ =	strace s19  }
0x93: {  	s2 =	sld [smem:$0x3FFC];
	_ =	sdelay $0x3  }
0x94: {  	_ =	strace s2  }
0x95: {  	s2 =	sld [smem:$0x3FFD];
	_ =	sdelay $0x3  }
0x96: {  	_ =	strace s2  }
0x97: {  	_ =	strace $0x8FFFFFFF  }
0x98: {  	s20 =	sld [smem:$0x3FDB];
	_ =	sdelay $0x1  }
0x99: {  	s4 =	simm.s32 $_scs_section_size  }
0x9a: {  	s5 =	simm.s32 $_size__tile_overlayer_lowered;
	s6 =	simm.s32 $_tile_overlayer_lowered  }
0x9b: {  	s7 =	simm.s32 $0x1BFF;
	s21 =	sshll.u32 s6, $0x1;
	s4 =	sadd.s32 s4, s20  }
0x9c: {  	s22 =	simm.s32 $0x0;
	s5 =	sshll.u32 s5, $0x1;
	s6 =	sadd.s32 s21, s4  }
0x9d: {  	[timem:s22], [sflag:s7] =	dma.local [hbm:s6], s5  }
0x9e: {  	_ =	swait.ge [sflag:s7], s5  }
0x9f: {  	s5 =	ssub.s32 $0x0, s5;
	[sflag:s7] =	ssyncset.done $0x0  }
0xa0: {  	[sflag:s7] =	ssyncadd.s32 s5;
	_ =	sdelay $0x1  }
0xa1: {  	s23 =	simm.s32 $0x1B8B  }
0xa2: {  	_ =	swait.ge [sflag:s23], $0x1  }
0xa3: {  	[sflag:s23] =	ssyncset.done $0x0  }
0xa4: {  	[sflag:s23] =	ssyncadd.s32 $0xFFFFFFFF  }
0xa5: {  	s5 =	sld [smem:$0x0]  }
0xa6: {  	s6 =	sand.u32 $0xFFFFFFFE, s1  }
0xa7: {  	p0 =	sne.s32 s1, s6  }
0xa8: {  	s6 =	sshll.u32 @p0 s6, $0xE  }
0xa9: {  	s6 =	sadd.s32 @p0 $0x11B8D, s6;
	s7 =	sshll.u32 @p0 s5, $0x11  }
0xaa: {  	s6 =	sor.u32 @p0 s7, s6  }
0xab: {  	[sflag:s6] =	ssyncadd.remote.s32 @p0 $0x1;
	_ =	sdelay $0x1  }
0xac: {  	s6 =	simm.s32 @p0 $0x1B8D  }
0xad: {  	_ =	swait.eq @p0 [sflag:s6], $0x1  }
0xae: {  	[sflag:s6] =	ssyncadd.s32 @p0 $0xFFFFFFFF  }
0xaf: {  	s7 =	sshll.u32 @!p0 s1, $0xE  }
0xb0: {  	s7 =	sor.u32 @!p0 $0x4000, s7;
	s6 =	simm.s32 @!p0 $0x1B8D  }
0xb1: {  	s5 =	sshll.u32 @!p0 s5, $0x11;
	s7 =	sadd.s32 @!p0 $0x11B8D, s7;
	_ =	swait.eq @!p0 [sflag:s6], $0x1  }
0xb2: {  	s5 =	sor.u32 @!p0 s5, s7;
	[sflag:s6] =	ssyncadd.s32 @!p0 $0xFFFFFFFF  }
0xb3: {  	s25 =	simm.s32 $0x1B8E;
	s24 =	sld [smem:$0x3FFE];
	[sflag:s5] =	ssyncadd.remote.s32 @!p0 $0x1  }
0xb4: {  	s26 =	simm.s32 $execute0_lowered;
	[smem:$0x3FD2] =	sst s25  }
0xb5: {  	s6 =	sshll.u32 s26, $0x1;
	_ =	strace $0x80000049;
	[dreg:$0x1] =	wrdreg $0xFFFFFFFF  }
0xb6: {  	s28 =	simm.s32 $_size_execute0_lowered;
	s4 =	sadd.s32 s4, s6;
	[dreg:$0x0] =	wrdreg $0x0  }
0xb7: {  	s6 =	sshll.u32 s28, $0x1;
	[dreg:$0x2] =	wrdreg s4  }
0xb8: {  	[dreg:$0x3] =	wrdreg s6  }
0xb9: {  	[dreg:$0x4] =	wrdreg $0xC0  }
0xba: {  	_ =	task [dreg:s22], $0x5FFFF  }
0xbb: {  	[dreg:$0x1] =	wrdreg $0xFFFFFFFF  }
0xbc: {  	[dreg:$0x0] =	wrdreg $0x60  }
0xbd: {  	[dreg:$0x2] =	wrdreg s18  }
0xbe: {  	[dreg:$0x3] =	wrdreg s24  }
0xbf: {  	[dreg:$0x4] =	wrdreg $0xA  }
0xc0: {  	_ =	task.clear_ibuf [dreg:s22], $0x5FFFF;
	_ =	strace $0x90000049  }
0xc1: {  	s29 =	simm.s32 $0xA;
	_ =	strace $0x8000004B  }
0xc2: {  	_ =	swait.ge [sflag:s29], $0x1  }
0xc3: {  	[sflag:s29] =	ssyncadd.s32 $0xFFFFFFFF  }
0xc4: {  	_ =	strace $0x9000004B  }
0xc5: {  	_ =	sfence  }
0xc6: {  	s30 =	sld [smem:$0x0];
	_ =	sdelay $0x2  }
0xc7: {  	s31 =	sshll.u32 s1, $0xD;
	s1 =	sshrl.u32 s1, $0x2  }
0xc8: {  	s4 =	sand.u32 $0x4000, s31;
	s1 =	sadd.s32 s1, s30  }
0xc9: {  	s0 =	sor.u32 s4, s0;
	s1 =	sshll.u32 s1, $0x11  }
0xca: {  	s0 =	sor.u32 s1, s0  }
0xcb: {  	s0 =	sadd.s32 $0x8F2B, s0  }
0xcc: {  	[sflag:s0] =	ssyncadd.remote.s32 $0x1  }
0xcd: {  	_ =	sfence.sel $0xFFFF  }
0xce: {  	[dreg:$0x0] =	wrdreg $0xFFFFFFFF;
	(pc) =	sbr.abs _section_cstart, $3  }
0xcf: {  	[dreg:$0x1] =	wrdreg $0xFFFFFFFF  }
0xd0: {  	_ =	task.clear_ibuf [dreg:s22], $0x2FFFF;
	_ =	strace $0x9FFFFFFF  }
0xd1: {  	(tm) =	ssettm $0x7FFFFFFF  }
tec
execute0_lowered:
.L_overlay_start_1:
0x0: {  	(tag) =	ssettag $0x1  }
0x1: {  	s1 =	srdreg.scid  }
0x2: {  	s0 =	stileid.u32;
	s6 =	rddreg [dreg:$0x1]  }
0x3: {  	s14 =	simm.s32 $0xC00;
	s15 =	simm.s32 $0x1400;
	s16 =	simm.s32 $0x1C00  }
0x4: {  	s17 =	simm.s32 $0x2400;
	s19 =	simm.s32 $0x2C00;
	s1 =	sand.u32 $0x1, s1  }
0x5: {  	s20 =	simm.s32 $0x3400;
	s2 =	sshll.u32 s0, $0x9;
	s3 =	sshll.u32 s1, $0x8  }
0x6: {  	s4 =	sor.u32 s3, s2;
	s2 =	rddreg [dreg:$0x0];
	s3 =	simm.s32 $0x0  }
0x7: {  	s22 =	simm.s32 $0x3C00;
	s23 =	simm.s32 $0x4400;
	[smem:$0x7FF] =	sst s3  }
0x8: {  	s24 =	simm.s32 $0x4C00;
	_ =	strace $0x8000004A;
	[dreg:$0x6] =	wrdreg s14  }
0x9: {  	s25 =	simm.s32 $0x5400;
	s26 =	simm.s32 $0x5C00;
	[dreg:$0x7] =	wrdreg s15  }
0xa: {  	s9 =	simm.s32 $0x6C00;
	s10 =	simm.s32 $0x7400;
	[dreg:$0x8] =	wrdreg s16  }
0xb: {  	s11 =	simm.s32 $0x7C00;
	s28 =	simm.s32 $0xFC00;
	[dreg:$0x9] =	wrdreg s17  }
0xc: {  	s29 =	simm.s32 $0x1;
	s30 =	simm.s32 $0x2;
	[dreg:$0xa] =	wrdreg s19  }
0xd: {  	s31 =	simm.s32 $0x3;
	s1 =	ssub.s32 $0x2, s1;
	[dreg:$0xb] =	wrdreg s20  }
0xe: {  	s18 =	sshrl.u32 s1, $0x1;
	s5 =	sor.u32 $0x2000, s4;
	[dreg:$0xc] =	wrdreg s22  }
0xf: {  	s4 =	sshll.u32 s4, $0x5;
	s1 =	ssub.s32 s1, s18;
	[dreg:$0xd] =	wrdreg s23  }
0x10: {  	s18 =	simm.s32 $0xB400;
	s7 =	sshrl.u32 s5, $0xA;
	[dreg:$0xe] =	wrdreg s24  }
0x11: {  	s4 =	sadd.s32 s4, s6;
	s5 =	sshll.u32 s5, $0x2;
	[dreg:$0xf] =	wrdreg s25  }
0x12: {  	[dreg:$0x10] =	wrdreg s26;
	s14 =	simm.s32 $0x9400;
	s15 =	simm.s32 $0x9C00  }
0x13: {  	s16 =	simm.s32 $0xA400;
	s17 =	simm.s32 $0xAC00;
	s19 =	simm.s32 $0xBC00  }
0x14: {  	s20 =	simm.s32 $0xC400;
	s22 =	simm.s32 $0xD400;
	s23 =	simm.s32 $0xDC00  }
0x15: {  	s24 =	simm.s32 $0xE400;
	s25 =	simm.s32 $0xEC00;
	s26 =	simm.s32 $0xF400  }
0x16: {  	s8 =	sshll.u32 s7, $0x7;
	s13 =	sadd.s32 $0x43000, s4;
	s4 =	sadd.s32 $0x44000, s4  }
0x17: {  	s21 =	sshll.u32 s7, $0xC;
	s7 =	simm.s32 $0x400;
	[dreg:$0x4] =	wrdreg s13  }
0x18: {  	s8 =	sadd.s32 s8, s6;
	[dreg:$0x5] =	wrdreg s4;
	s5 =	ssub.s32 s5, s21  }
0x19: {  	v2 =	vlaneseq.u32;
	s6 =	simm.s32 $0x5;
	s13 =	simm.s32 $0x8C00;
	s21 =	simm.s32 $0xCC00  }
0x1a: {  	vm0 =	vmmov $0xffff;
	v1 =	vshrl.u32 v2, $0x3;
	s12 =	sadd.s32 $0x2800, s8;
	s4 =	sshra.s32 s5, $0x2;
	s5 =	smax.u32 s1, $0x1  }
0x1b: {  	v0 =	vand.u32 $0x7, v2;
	v2 =	vor.u32 $0x8, v2;
	v1 =	vmul.u32 $0x8, v1;
	s1 =	simm.s32 $0x4;
	[dreg:$0x3] =	wrdreg s12;
	s12 =	simm.s32 $0x8400  }
.LBB2_1:
0x1c: {  	s0 =	rddreg [dreg:$0x3]  }
0x1d: {  	[tilespmem:s3], [sflag:$0x5] =	stream.linear.gather [hbm4b:s0+s3], $0x400, $0x38;
	[tilespmem:$0x10400] =	vst v63  }
0x1e: {  	_ =	swait.ge [sflag:s6], $0x400  }
0x1f: {  	[sflag:s6] =	ssyncset.done $0x0  }
0x20: {  	[sflag:s6] =	ssyncadd.s32 $0xFFFFFC00  }
0x21: {  	v3 =	vld [tilespmem:s4+$0x0];
	_ =	sdelay $0x4  }
0x22: {  	v4 =	vshll.u32 v3, $0x1  }
0x23: {  	v3 =	vand.u32 $0x7, v3;
	v4 =	vand.u32 $0xFFFFFFF0, v4  }
0x24: {  	v3 =	vor.u32 v3, v4  }
0x25: {  	v4 =	vperm.xlane v3, v0;
	_ =	sdelay $0x1  }
0x26: {  	v3 =	vperm.xlane v3, v2;
	v4 =	vadd.s32 v1, v4;
	_ =	sdelay $0x1  }
0x27: {  	v3 =	vadd.s32 v1, v3;
	_ =	sdelay $0x2  }
0x28: {  	[tilespmem:s7], [sflag:$0x1] =	stream.indirect_vreg.gather [hbm4b:s2+s3], $0x80, v4, vm0, $0xb8;
	[tilespmem:$0x10400] =	vst v63  }
0x29: {  	s8 =	rddreg [dreg:$0x6]  }
0x2a: {  	[tilespmem:s8], [sflag:$0x1] =	stream.indirect_vreg.gather [hbm4b:s2+s3], $0x80, v3, vm0, $0xb8;
	[tilespmem:$0x10400] =	vst v63  }
0x2b: {  	v3 =	vld [tilespmem:s4+$0x10];
	_ =	sdelay $0x4  }
0x2c: {  	v49 =	vshll.u32 v3, $0x1  }
0x2d: {  	v3 =	vand.u32 $0x7, v3;
	v4 =	vand.u32 $0xFFFFFFF0, v49  }
0x2e: {  	v3 =	vor.u32 v3, v4  }
0x2f: {  	v4 =	vperm.xlane v3, v0;
	_ =	sdelay $0x1  }
0x30: {  	v3 =	vperm.xlane v3, v2;
	v4 =	vadd.s32 v1, v4;
	_ =	sdelay $0x1  }
0x31: {  	v3 =	vadd.s32 v1, v3;
	_ =	sdelay $0x1  }
0x32: {  	s0 =	rddreg [dreg:$0x7]  }
0x33: {  	[tilespmem:s0], [sflag:$0x1] =	stream.indirect_vreg.gather [hbm4b:s2+s3], $0x80, v4, vm0, $0xb8;
	[tilespmem:$0x10400] =	vst v63  }
0x34: {  	s8 =	rddreg [dreg:$0x8]  }
0x35: {  	[tilespmem:s8], [sflag:$0x1] =	stream.indirect_vreg.gather [hbm4b:s2+s3], $0x80, v3, vm0, $0xb8;
	[tilespmem:$0x10400] =	vst v63  }
0x36: {  	v3 =	vld [tilespmem:s4+$0x20];
	_ =	sdelay $0x4  }
0x37: {  	v50 =	vshll.u32 v3, $0x1  }
0x38: {  	v3 =	vand.u32 $0x7, v3;
	v4 =	vand.u32 $0xFFFFFFF0, v50  }
0x39: {  	v3 =	vor.u32 v3, v4  }
0x3a: {  	v4 =	vperm.xlane v3, v0;
	_ =	sdelay $0x1  }
0x3b: {  	v3 =	vperm.xlane v3, v2;
	v4 =	vadd.s32 v1, v4;
	_ =	sdelay $0x1  }
0x3c: {  	v3 =	vadd.s32 v1, v3;
	_ =	sdelay $0x1  }
0x3d: {  	s0 =	rddreg [dreg:$0x9]  }
0x3e: {  	[tilespmem:s0], [sflag:$0x1] =	stream.indirect_vreg.gather [hbm4b:s2+s3], $0x80, v4, vm0, $0xb8;
	[tilespmem:$0x10400] =	vst v63  }
0x3f: {  	s8 =	rddreg [dreg:$0xa]  }
0x40: {  	[tilespmem:s8], [sflag:$0x1] =	stream.indirect_vreg.gather [hbm4b:s2+s3], $0x80, v3, vm0, $0xb8;
	[tilespmem:$0x10400] =	vst v63  }
0x41: {  	v3 =	vld [tilespmem:s4+$0x30];
	_ =	sdelay $0x4  }
0x42: {  	v51 =	vshll.u32 v3, $0x1  }
0x43: {  	v3 =	vand.u32 $0x7, v3;
	v4 =	vand.u32 $0xFFFFFFF0, v51  }
0x44: {  	v3 =	vor.u32 v3, v4  }
0x45: {  	v4 =	vperm.xlane v3, v0;
	_ =	sdelay $0x1  }
0x46: {  	v3 =	vperm.xlane v3, v2;
	v4 =	vadd.s32 v1, v4;
	_ =	sdelay $0x1  }
0x47: {  	v3 =	vadd.s32 v1, v3;
	_ =	sdelay $0x1  }
0x48: {  	s0 =	rddreg [dreg:$0xb]  }
0x49: {  	[tilespmem:s0], [sflag:$0x1] =	stream.indirect_vreg.gather [hbm4b:s2+s3], $0x80, v4, vm0, $0xb8;
	[tilespmem:$0x10400] =	vst v63  }
0x4a: {  	s8 =	rddreg [dreg:$0xc]  }
0x4b: {  	[tilespmem:s8], [sflag:$0x1] =	stream.indirect_vreg.gather [hbm4b:s2+s3], $0x80, v3, vm0, $0xb8;
	[tilespmem:$0x10400] =	vst v63  }
0x4c: {  	v3 =	vld [tilespmem:s4+$0x40];
	_ =	sdelay $0x4  }
0x4d: {  	v52 =	vshll.u32 v3, $0x1  }
0x4e: {  	v3 =	vand.u32 $0x7, v3;
	v4 =	vand.u32 $0xFFFFFFF0, v52  }
0x4f: {  	v3 =	vor.u32 v3, v4  }
0x50: {  	v4 =	vperm.xlane v3, v0;
	_ =	sdelay $0x1  }
0x51: {  	v3 =	vperm.xlane v3, v2;
	v4 =	vadd.s32 v1, v4;
	_ =	sdelay $0x1  }
0x52: {  	v3 =	vadd.s32 v1, v3;
	_ =	sdelay $0x1  }
0x53: {  	s0 =	rddreg [dreg:$0xd]  }
0x54: {  	[tilespmem:s0], [sflag:$0x1] =	stream.indirect_vreg.gather [hbm4b:s2+s3], $0x80, v4, vm0, $0xb8;
	[tilespmem:$0x10400] =	vst v63  }
0x55: {  	s8 =	rddreg [dreg:$0xe]  }
0x56: {  	[tilespmem:s8], [sflag:$0x1] =	stream.indirect_vreg.gather [hbm4b:s2+s3], $0x80, v3, vm0, $0xb8;
	[tilespmem:$0x10400] =	vst v63  }
0x57: {  	v3 =	vld [tilespmem:s4+$0x50];
	_ =	sdelay $0x4  }
0x58: {  	v53 =	vshll.u32 v3, $0x1  }
0x59: {  	v3 =	vand.u32 $0x7, v3;
	v4 =	vand.u32 $0xFFFFFFF0, v53  }
0x5a: {  	v3 =	vor.u32 v3, v4  }
0x5b: {  	v4 =	vperm.xlane v3, v0;
	_ =	sdelay $0x1  }
0x5c: {  	v3 =	vperm.xlane v3, v2;
	v4 =	vadd.s32 v1, v4;
	_ =	sdelay $0x1  }
0x5d: {  	v3 =	vadd.s32 v1, v3;
	_ =	sdelay $0x1  }
0x5e: {  	s0 =	rddreg [dreg:$0xf]  }
0x5f: {  	[tilespmem:s0], [sflag:$0x1] =	stream.indirect_vreg.gather [hbm4b:s2+s3], $0x80, v4, vm0, $0xb8;
	[tilespmem:$0x10400] =	vst v63  }
0x60: {  	s8 =	rddreg [dreg:$0x10]  }
0x61: {  	[tilespmem:s8], [sflag:$0x1] =	stream.indirect_vreg.gather [hbm4b:s2+s3], $0x80, v3, vm0, $0xb8;
	[tilespmem:$0x10400] =	vst v63  }
0x62: {  	v3 =	vld [tilespmem:s4+$0x60];
	_ =	sdelay $0x4  }
0x63: {  	v54 =	vshll.u32 v3, $0x1  }
0x64: {  	v3 =	vand.u32 $0x7, v3;
	v4 =	vand.u32 $0xFFFFFFF0, v54  }
0x65: {  	v3 =	vor.u32 v3, v4  }
0x66: {  	v4 =	vperm.xlane v3, v0;
	_ =	sdelay $0x1  }
0x67: {  	v3 =	vperm.xlane v3, v2;
	v4 =	vadd.s32 v1, v4;
	_ =	sdelay $0x1  }
0x68: {  	v3 =	vadd.s32 v1, v3;
	_ =	sdelay $0x1  }
0x69: {  	s8 =	simm.s32 $0x6400  }
0x6a: {  	[tilespmem:s8], [sflag:$0x1] =	stream.indirect_vreg.gather [hbm4b:s2+s3], $0x80, v4, vm0, $0xb8;
	[tilespmem:$0x10400] =	vst v63  }
0x6b: {  	_ = 	snop  }
0x6c: {  	[tilespmem:s9], [sflag:$0x1] =	stream.indirect_vreg.gather [hbm4b:s2+s3], $0x80, v3, vm0, $0xb8;
	[tilespmem:$0x10400] =	vst v63  }
0x6d: {  	v3 =	vld [tilespmem:s4+$0x70];
	_ =	sdelay $0x4  }
0x6e: {  	v55 =	vshll.u32 v3, $0x1  }
0x6f: {  	v3 =	vand.u32 $0x7, v3;
	v4 =	vand.u32 $0xFFFFFFF0, v55  }
0x70: {  	v3 =	vor.u32 v3, v4  }
0x71: {  	v4 =	vperm.xlane v3, v0;
	_ =	sdelay $0x1  }
0x72: {  	v3 =	vperm.xlane v3, v2;
	v4 =	vadd.s32 v1, v4;
	_ =	sdelay $0x1  }
0x73: {  	v3 =	vadd.s32 v1, v3;
	_ =	sdelay $0x2  }
0x74: {  	[tilespmem:s10], [sflag:$0x1] =	stream.indirect_vreg.gather [hbm4b:s2+s3], $0x80, v4, vm0, $0xb8;
	[tilespmem:$0x10400] =	vst v63  }
0x75: {  	_ = 	snop  }
0x76: {  	[tilespmem:s11], [sflag:$0x1] =	stream.indirect_vreg.gather [hbm4b:s2+s3], $0x80, v3, vm0, $0xb8;
	[tilespmem:$0x10400] =	vst v63  }
0x77: {  	v3 =	vld [tilespmem:s4+$0x80];
	_ =	sdelay $0x4  }
0x78: {  	v56 =	vshll.u32 v3, $0x1  }
0x79: {  	v3 =	vand.u32 $0x7, v3;
	v4 =	vand.u32 $0xFFFFFFF0, v56  }
0x7a: {  	v3 =	vor.u32 v3, v4  }
0x7b: {  	v4 =	vperm.xlane v3, v0;
	_ =	sdelay $0x1  }
0x7c: {  	v3 =	vperm.xlane v3, v2;
	v4 =	vadd.s32 v1, v4;
	_ =	sdelay $0x1  }
0x7d: {  	v3 =	vadd.s32 v1, v3;
	_ =	sdelay $0x2  }
0x7e: {  	[tilespmem:s12], [sflag:$0x2] =	stream.indirect_vreg.gather [hbm4b:s2+s3], $0x80, v4, vm0, $0xb8;
	[tilespmem:$0x10400] =	vst v63  }
0x7f: {  	_ = 	snop  }
0x80: {  	[tilespmem:s13], [sflag:$0x2] =	stream.indirect_vreg.gather [hbm4b:s2+s3], $0x80, v3, vm0, $0xb8;
	[tilespmem:$0x10400] =	vst v63  }
0x81: {  	v3 =	vld [tilespmem:s4+$0x90];
	_ =	sdelay $0x4  }
0x82: {  	v57 =	vshll.u32 v3, $0x1  }
0x83: {  	v3 =	vand.u32 $0x7, v3;
	v4 =	vand.u32 $0xFFFFFFF0, v57  }
0x84: {  	v3 =	vor.u32 v3, v4  }
0x85: {  	v4 =	vperm.xlane v3, v0;
	_ =	sdelay $0x1  }
0x86: {  	v3 =	vperm.xlane v3, v2;
	v4 =	vadd.s32 v1, v4;
	_ =	sdelay $0x1  }
0x87: {  	v3 =	vadd.s32 v1, v3;
	_ =	sdelay $0x2  }
0x88: {  	[tilespmem:s14], [sflag:$0x2] =	stream.indirect_vreg.gather [hbm4b:s2+s3], $0x80, v4, vm0, $0xb8;
	[tilespmem:$0x10400] =	vst v63  }
0x89: {  	_ = 	snop  }
0x8a: {  	[tilespmem:s15], [sflag:$0x2] =	stream.indirect_vreg.gather [hbm4b:s2+s3], $0x80, v3, vm0, $0xb8;
	[tilespmem:$0x10400] =	vst v63  }
0x8b: {  	v3 =	vld [tilespmem:s4+$0xA0];
	_ =	sdelay $0x4  }
0x8c: {  	v58 =	vshll.u32 v3, $0x1  }
0x8d: {  	v3 =	vand.u32 $0x7, v3;
	v4 =	vand.u32 $0xFFFFFFF0, v58  }
0x8e: {  	v3 =	vor.u32 v3, v4  }
0x8f: {  	v4 =	vperm.xlane v3, v0;
	_ =	sdelay $0x1  }
0x90: {  	v3 =	vperm.xlane v3, v2;
	v4 =	vadd.s32 v1, v4;
	_ =	sdelay $0x1  }
0x91: {  	v3 =	vadd.s32 v1, v3;
	_ =	sdelay $0x2  }
0x92: {  	[tilespmem:s16], [sflag:$0x2] =	stream.indirect_vreg.gather [hbm4b:s2+s3], $0x80, v4, vm0, $0xb8;
	[tilespmem:$0x10400] =	vst v63  }
0x93: {  	_ = 	snop  }
0x94: {  	[tilespmem:s17], [sflag:$0x2] =	stream.indirect_vreg.gather [hbm4b:s2+s3], $0x80, v3, vm0, $0xb8;
	[tilespmem:$0x10400] =	vst v63  }
0x95: {  	v3 =	vld [tilespmem:s4+$0xB0];
	_ =	sdelay $0x4  }
0x96: {  	v59 =	vshll.u32 v3, $0x1  }
0x97: {  	v3 =	vand.u32 $0x7, v3;
	v4 =	vand.u32 $0xFFFFFFF0, v59  }
0x98: {  	v3 =	vor.u32 v3, v4  }
0x99: {  	v4 =	vperm.xlane v3, v0;
	_ =	sdelay $0x1  }
0x9a: {  	v3 =	vperm.xlane v3, v2;
	v4 =	vadd.s32 v1, v4;
	_ =	sdelay $0x1  }
0x9b: {  	v3 =	vadd.s32 v1, v3;
	_ =	sdelay $0x2  }
0x9c: {  	[tilespmem:s18], [sflag:$0x2] =	stream.indirect_vreg.gather [hbm4b:s2+s3], $0x80, v4, vm0, $0xb8;
	[tilespmem:$0x10400] =	vst v63  }
0x9d: {  	_ = 	snop  }
0x9e: {  	[tilespmem:s19], [sflag:$0x2] =	stream.indirect_vreg.gather [hbm4b:s2+s3], $0x80, v3, vm0, $0xb8;
	[tilespmem:$0x10400] =	vst v63  }
0x9f: {  	v3 =	vld [tilespmem:s4+$0xC0];
	_ =	sdelay $0x4  }
0xa0: {  	v60 =	vshll.u32 v3, $0x1  }
0xa1: {  	v3 =	vand.u32 $0x7, v3;
	v4 =	vand.u32 $0xFFFFFFF0, v60  }
0xa2: {  	v3 =	vor.u32 v3, v4  }
0xa3: {  	v4 =	vperm.xlane v3, v0;
	_ =	sdelay $0x1  }
0xa4: {  	v3 =	vperm.xlane v3, v2;
	v4 =	vadd.s32 v1, v4;
	_ =	sdelay $0x1  }
0xa5: {  	v3 =	vadd.s32 v1, v3;
	_ =	sdelay $0x2  }
0xa6: {  	[tilespmem:s20], [sflag:$0x2] =	stream.indirect_vreg.gather [hbm4b:s2+s3], $0x80, v4, vm0, $0xb8;
	[tilespmem:$0x10400] =	vst v63  }
0xa7: {  	_ = 	snop  }
0xa8: {  	[tilespmem:s21], [sflag:$0x2] =	stream.indirect_vreg.gather [hbm4b:s2+s3], $0x80, v3, vm0, $0xb8;
	[tilespmem:$0x10400] =	vst v63  }
0xa9: {  	v3 =	vld [tilespmem:s4+$0xD0];
	_ =	sdelay $0x4  }
0xaa: {  	v61 =	vshll.u32 v3, $0x1  }
0xab: {  	v3 =	vand.u32 $0x7, v3;
	v4 =	vand.u32 $0xFFFFFFF0, v61  }
0xac: {  	v3 =	vor.u32 v3, v4  }
0xad: {  	v4 =	vperm.xlane v3, v0;
	_ =	sdelay $0x1  }
0xae: {  	v3 =	vperm.xlane v3, v2;
	v4 =	vadd.s32 v1, v4;
	_ =	sdelay $0x1  }
0xaf: {  	v3 =	vadd.s32 v1, v3;
	_ =	sdelay $0x2  }
0xb0: {  	[tilespmem:s22], [sflag:$0x2] =	stream.indirect_vreg.gather [hbm4b:s2+s3], $0x80, v4, vm0, $0xb8;
	[tilespmem:$0x10400] =	vst v63  }
0xb1: {  	_ = 	snop  }
0xb2: {  	[tilespmem:s23], [sflag:$0x2] =	stream.indirect_vreg.gather [hbm4b:s2+s3], $0x80, v3, vm0, $0xb8;
	[tilespmem:$0x10400] =	vst v63  }
0xb3: {  	v3 =	vld [tilespmem:s4+$0xE0];
	_ =	sdelay $0x4  }
0xb4: {  	v62 =	vshll.u32 v3, $0x1  }
0xb5: {  	v3 =	vand.u32 $0x7, v3;
	v4 =	vand.u32 $0xFFFFFFF0, v62  }
0xb6: {  	v3 =	vor.u32 v3, v4  }
0xb7: {  	v4 =	vperm.xlane v3, v0;
	_ =	sdelay $0x1  }
0xb8: {  	v3 =	vperm.xlane v3, v2;
	v4 =	vadd.s32 v1, v4;
	_ =	sdelay $0x1  }
0xb9: {  	v3 =	vadd.s32 v1, v3;
	_ =	sdelay $0x2  }
0xba: {  	[tilespmem:s24], [sflag:$0x2] =	stream.indirect_vreg.gather [hbm4b:s2+s3], $0x80, v4, vm0, $0xb8;
	[tilespmem:$0x10400] =	vst v63  }
0xbb: {  	_ = 	snop  }
0xbc: {  	[tilespmem:s25], [sflag:$0x2] =	stream.indirect_vreg.gather [hbm4b:s2+s3], $0x80, v3, vm0, $0xb8;
	[tilespmem:$0x10400] =	vst v63  }
0xbd: {  	v3 =	vld [tilespmem:s4+$0xF0];
	_ =	sdelay $0x4  }
0xbe: {  	v63 =	vshll.u32 v3, $0x1  }
0xbf: {  	v3 =	vand.u32 $0x7, v3;
	v4 =	vand.u32 $0xFFFFFFF0, v63  }
0xc0: {  	v3 =	vor.u32 v3, v4  }
0xc1: {  	v4 =	vperm.xlane v3, v0;
	_ =	sdelay $0x1  }
0xc2: {  	v3 =	vperm.xlane v3, v2;
	v4 =	vadd.s32 v1, v4;
	_ =	sdelay $0x1  }
0xc3: {  	v3 =	vadd.s32 v1, v3;
	_ =	sdelay $0x2  }
0xc4: {  	[tilespmem:s26], [sflag:$0x2] =	stream.indirect_vreg.gather [hbm4b:s2+s3], $0x80, v4, vm0, $0xb8;
	[tilespmem:$0x10400] =	vst v63  }
0xc5: {  	_ = 	snop  }
0xc6: {  	[tilespmem:s28], [sflag:$0x2] =	stream.indirect_vreg.gather [hbm4b:s2+s3], $0x80, v3, vm0, $0xb8;
	[tilespmem:$0x10400] =	vst v63  }
0xc7: {  	_ =	swait.ge [sflag:s29], $0x8000  }
0xc8: {  	[sflag:s29] =	ssyncset.done $0x0  }
0xc9: {  	s8 =	rddreg [dreg:$0x4];
	[sflag:s29] =	ssyncadd.s32 $0xFFFF8000  }
0xca: {  	[hbm4b:s8+s3] =	stream.linear.scatter [tilespmem:s7], [sflag:$0x3], $0x8000, $0x38;
	[tilespmem:$0x10400] =	vst v63  }
0xcb: {  	_ =	swait.ge [sflag:s30], $0x8000  }
0xcc: {  	[sflag:s30] =	ssyncset.done $0x0  }
0xcd: {  	s8 =	rddreg [dreg:$0x5];
	[sflag:s30] =	ssyncadd.s32 $0xFFFF8000  }
0xce: {  	[hbm4b:s8+s3] =	stream.linear.scatter [tilespmem:s12], [sflag:$0x4], $0x8000, $0x38;
	[tilespmem:$0x10400] =	vst v63  }
0xcf: {  	p0 =	sne.s32 s5, $0x1;
	_ =	swait.ge [sflag:s31], $0x8000  }
.Ltmp0:
0xd0: {  	[sflag:s31] =	ssyncset.done $0x0;
	(pc) =	sbr.rel @p0 .LBB2_1-.Ltmp0, $4  }
0xd1: {  	[sflag:s31] =	ssyncadd.s32 $0xFFFF8000  }
0xd2: {  	_ =	swait.ge [sflag:s1], $0x8000  }
0xd3: {  	[sflag:s1] =	ssyncset.done $0x0  }
0xd4: {  	s5 =	sadd.s32 $0xFFFFFFFF, s5;
	[sflag:s1] =	ssyncadd.s32 $0xFFFF8000  }
0xd5: {  	_ =	sfence.sel $0x180000  }
0xd6: {  	[bflag:$0x0] =	sbarrier.arrive $0xFFFF  }
0xd7: {  	_ =	strace $0x9000004A  }
0xd8: {  	s0 =	stileid.u32;
	[bflag:$0x2] =	sbarrier.arrive $0xFFFF  }
0xd9: {  	p0 =	sne.s32 s0, $0x0;
	s0 =	rddreg [dreg:$0x2]  }
0xda: {  	s0 =	sadd.s32 @!p0 $0x100000, s0  }
0xdb: {  	[sflag:s0] =	ssyncadd.tile.s32 @!p0 $0x1;
	_ =	shalt  }
.Lfunc_end2:
_tile_overlayer_lowered:
.L_overlay_start_2:
0xdc: {  	(tag) =	ssettag $0x2  }
0xdd: {  	s0 =	rddreg [dreg:$0x0];
	s2 =	stileid.u32  }
0xde: {  	s1 =	rddreg [dreg:$0x1];
	p0 =	sne.s32 s2, $0x0  }
0xdf: {  	s3 =	rddreg [dreg:$0x2];
	[bflag:$0x3] =	sbarrier.arrive $0xFFFF;
	s2 =	simm.s32 @!p0 $0x1C05  }
0xe0: {  	[timem:s3], [sflag:s2] =	dma.local @!p0 [hbm:s0], s1  }
0xe1: {  	s0 =	simm.s32 @!p0 $0x5  }
0xe2: {  	_ =	swait.ge @!p0 [sflag:s0], s1  }
0xe3: {  	s1 =	ssub.s32 @!p0 $0x0, s1;
	[sflag:s0] =	ssyncset.done @!p0 $0x0  }
0xe4: {  	[sflag:s0] =	ssyncadd.s32 @!p0 s1  }
0xe5: {  	[bflag:$0x3] =	sbarrier.arrive $0xFFFF  }
0xe6: {  	_ =	shalt  }

// kernel: kernel.7.cloned.1.call-start
scs
__scs_entry_jumppad:
0x0: {  	(pc) =	sbr.rel $0x88, $3  }
0x1: {  	(tag) =	ssettag $0x0;
	lr =	simm.s32 $0x1  }
0x2: {  	[smem:$0x3F94] =	sst lr;
	_ =	strace $0xD0000000  }
0x3: {  	_ = 	snop  }
0x4: {  	_ = 	snop  }
0x5: {  	_ = 	snop  }
0x6: {  	_ = 	snop  }
0x7: {  	_ = 	snop  }
__scs_overlays_trampoline_lowered:
0x8: {  	[smem:$0x3FA3] =	sst s0  }
0x9: {  	[smem:$0x3FA4] =	sst s1  }
0xa: {  	[smem:$0x3FA5] =	sst s2  }
0xb: {  	[smem:$0x3FA6] =	sst s3  }
0xc: {  	[smem:$0x3FA7] =	sst s4  }
0xd: {  	[smem:$0x3FA8] =	sst s5  }
0xe: {  	[smem:$0x3FA9] =	sst s6  }
0xf: {  	[smem:$0x3FAA] =	sst s7  }
0x10: {  	[smem:$0x3FAB] =	sst s8  }
0x11: {  	[smem:$0x3FAC] =	sst s9;
	s0 =	simm.s32 @!p0 $0x0  }
0x12: {  	s1 =	sld [smem:$0x3F92];
	s0 =	simm.s32 @p0 $0x1  }
0x13: {  	[smem:$0x3FAD] =	sst s0;
	s0 =	simm.s32 @!p1 $0x0  }
0x14: {  	s2 =	sld [smem:$0x3F91];
	s0 =	simm.s32 @p1 $0x1  }
0x15: {  	[smem:$0x3FAE] =	sst s0;
	s0 =	simm.s32 @!p2 $0x0  }
0x16: {  	s3 =	sld [smem:$0x3FDB];
	s0 =	simm.s32 @p2 $0x1  }
0x17: {  	s4 =	simm.s32 $0x1BF5;
	[smem:$0x3FB0] =	sst s0  }
0x18: {  	s0 =	sld [smem:$0x3F93];
	_ =	swait.ge [sflag:s4], $0x0  }
0x19: {  	s7 =	sld [smem:$0x3F94]  }
0x1a: {  	s8 =	sadd.s32 $0xFFFFE003, lr  }
0x1b: {  	s9 =	sadd.s32 $0xFFFFFEF7, lr;
	s5 =	simm.s32 $0xFFFFFFFF;
	p2 =	slt.u32 s8, $0xFFFFF086  }
0x1c: {  	p1 =	slt.u32 s9, $0xF7A;
	s5 =	simm.s32 @!p2 $0x0  }
0x1d: {  	s5 =	simm.s32 @p1 $0x1;
	p0 =	seq.s32 s7, s2  }
0x1e: {  	s7 =	smul.u32 @!p0 $0xF7A, s2;
	p2 =	seq.s32 @!p0 s5, $0x0  }
0x1f: {  	s9 =	smul.u32 $0xF7A, s1;
	s8 =	simm.s32 @!p0 $0x1BF5;
	p2 =	por !p2, p0  }
0x20: {  	[sflag:s8] =	ssyncset.s32 @!p0 $0xFFFFF086;
	s6 =	sadd.s32 @!p0 s3, s7;
	s7 =	simm.s32 @!p0 $0x108  }
0x21: {  	s3 =	sadd.s32 s3, s9;
	s6 =	sadd.s32 @!p0 $0x88, s6;
	s7 =	simm.s32 @p2 $0x1082  }
0x22: {  	[simem:s7], [sflag:s8] =	dma.local @!p0 [hbm:s6], $0xF7A  }
0x23: {  	s9 =	sor.u32 $0xD0000000, s2;
	s6 =	simm.s32 $0x108;
	_ =	swait.ge @!p0 [sflag:s8], $0x0  }
0x24: {  	s3 =	sadd.s32 $0x88, s3;
	s6 =	simm.s32 @!p1 $0x1082;
	[sflag:s4] =	ssyncset.s32 $0xFFFFF086  }
0x25: {  	[simem:s6], [sflag:s4] =	dma.local [hbm:s3], $0xF7A  }
0x26: {  	[smem:$0x3F94] =	sst s1;
	(tag) =	ssettag s2;
	_ =	strace s9  }
0x27: {  	s1 =	sld [smem:$0x3FA4]  }
0x28: {  	s2 =	sld [smem:$0x3FA5]  }
0x29: {  	s4 =	sld [smem:$0x3FA7]  }
0x2a: {  	p0 =	seq.s32 s5, $0x0;
	s5 =	sld [smem:$0x3FA8]  }
0x2b: {  	s6 =	sld [smem:$0x3FA9]  }
0x2c: {  	s7 =	sld [smem:$0x3FAA]  }
0x2d: {  	s3 =	simm.s32 $0x108;
	s8 =	sld [smem:$0x3FAB]  }
0x2e: {  	s3 =	simm.s32 @!p0 $0x1082;
	s9 =	sld [smem:$0x3FAC]  }
0x2f: {  	lr =	sadd.s32 s0, s3;
	s0 =	sld [smem:$0x3FA3]  }
0x30: {  	s3 =	sld [smem:$0x3FA6]  }
0x31: {  	[smem:$0x3FAF] =	sst s10  }
0x32: {  	s10 =	sld [smem:$0x3FAD];
	_ =	sdelay $0x3  }
0x33: {  	p0 =	seq.s32 s10, $0x1;
	s10 =	sld [smem:$0x3FAF];
	_ =	sdelay $0x3  }
0x34: {  	[smem:$0x3FAF] =	sst s10  }
0x35: {  	s10 =	sld [smem:$0x3FAE];
	_ =	sdelay $0x3  }
0x36: {  	p1 =	seq.s32 s10, $0x1;
	s10 =	sld [smem:$0x3FAF];
	_ =	sdelay $0x3  }
0x37: {  	[smem:$0x3FAF] =	sst s10  }
0x38: {  	s10 =	sld [smem:$0x3FB0]  }
0x39: {  	_ = 	snop;
	(pc) =	sbr.ind lr, $3  }
0x3a: {  	_ = 	snop  }
0x3b: {  	_ = 	snop  }
0x3c: {  	p2 =	seq.s32 s10, $0x1;
	s10 =	sld [smem:$0x3FAF]  }
0x3d: {  	_ =	shalt  }
0x3e: {  	_ =	shalt  }
0x3f: {  	_ =	shalt  }
0x40: {  	_ =	shalt  }
0x41: {  	_ =	shalt  }
0x42: {  	_ =	shalt  }
0x43: {  	_ =	shalt  }
0x44: {  	_ =	shalt  }
0x45: {  	_ =	shalt  }
0x46: {  	_ =	shalt  }
0x47: {  	_ =	shalt  }
0x48: {  	_ =	shalt  }
0x49: {  	_ =	shalt  }
0x4a: {  	_ =	shalt  }
0x4b: {  	_ =	shalt  }
0x4c: {  	_ =	shalt  }
0x4d: {  	_ =	shalt  }
0x4e: {  	_ =	shalt  }
0x4f: {  	_ =	shalt  }
0x50: {  	_ =	shalt  }
0x51: {  	_ =	shalt  }
0x52: {  	_ =	shalt  }
0x53: {  	_ =	shalt  }
0x54: {  	_ =	shalt  }
0x55: {  	_ =	shalt  }
0x56: {  	_ =	shalt  }
0x57: {  	_ =	shalt  }
0x58: {  	_ =	shalt  }
0x59: {  	_ =	shalt  }
0x5a: {  	_ =	shalt  }
0x5b: {  	_ =	shalt  }
0x5c: {  	_ =	shalt  }
0x5d: {  	_ =	shalt  }
0x5e: {  	_ =	shalt  }
0x5f: {  	_ =	shalt  }
0x60: {  	_ =	shalt  }
0x61: {  	_ =	shalt  }
0x62: {  	_ =	shalt  }
0x63: {  	_ =	shalt  }
0x64: {  	_ =	shalt  }
0x65: {  	_ =	shalt  }
0x66: {  	_ =	shalt  }
0x67: {  	_ =	shalt  }
0x68: {  	_ =	shalt  }
0x69: {  	_ =	shalt  }
0x6a: {  	_ =	shalt  }
0x6b: {  	_ =	shalt  }
0x6c: {  	_ =	shalt  }
0x6d: {  	_ =	shalt  }
0x6e: {  	_ =	shalt  }
0x6f: {  	_ =	shalt  }
0x70: {  	_ =	shalt  }
0x71: {  	_ =	shalt  }
0x72: {  	_ =	shalt  }
0x73: {  	_ =	shalt  }
0x74: {  	_ =	shalt  }
0x75: {  	_ =	shalt  }
0x76: {  	_ =	shalt  }
0x77: {  	_ =	shalt  }
0x78: {  	_ =	shalt  }
0x79: {  	_ =	shalt  }
0x7a: {  	_ =	shalt  }
0x7b: {  	_ =	shalt  }
0x7c: {  	_ =	shalt  }
0x7d: {  	_ =	shalt  }
0x7e: {  	_ =	shalt  }
0x7f: {  	_ =	shalt  }
0x80: {  	_ =	shalt  }
0x81: {  	_ =	shalt  }
0x82: {  	_ =	shalt  }
0x83: {  	_ =	shalt  }
0x84: {  	_ =	shalt  }
0x85: {  	_ =	shalt  }
0x86: {  	_ =	shalt  }
0x87: {  	_ =	shalt  }
.Lfunc_end0:
.L_simem_size_0:
called_computation_lowered:
.L_overlay_start_0:
0x88: {  	s2 =	sld [smem:$0x3FD9]  }
0x89: {  	s3 =	sld [smem:$0x3FFE];
	_ =	sdelay $0x1  }
0x8a: {  	s1 =	srdreg.scid  }
0x8b: {  	s0 =	sand.u32 $0x1, s1  }
0x8c: {  	s17 =	sshll.u32 s0, $0xA;
	s2 =	sadd.s32 s3, s2  }
0x8d: {  	s2 =	sadd.s32 s2, s17  }
0x8e: {  	[smem:$0x3FBB] =	sst s2  }
0x8f: {  	_ = 	snop  }
0x90: {  	s2 =	sld [smem:$0x3FBF];
	(tm) =	ssettm $0x1  }
0x91: {  	s18 =	sld [smem:$0x3FFB];
	_ =	sdelay $0x3  }
0x92: {  	_ =	strace s18  }
0x93: {  	s3 =	sld [smem:$0x3FFC];
	_ =	sdelay $0x3  }
0x94: {  	_ =	strace s3  }
0x95: {  	s3 =	sld [smem:$0x3FFD];
	_ =	sdelay $0x3  }
0x96: {  	_ =	strace s3  }
0x97: {  	_ =	strace $0x8FFFFFFF  }
0x98: {  	s19 =	sld [smem:$0x3FDB];
	_ =	sdelay $0x1  }
0x99: {  	s4 =	simm.s32 $_scs_section_size  }
0x9a: {  	s5 =	simm.s32 $_size__tile_overlayer_lowered;
	s6 =	simm.s32 $_tile_overlayer_lowered  }
0x9b: {  	s22 =	simm.s32 $0x1BFF;
	s21 =	sshll.u32 s6, $0x1;
	s3 =	sadd.s32 s4, s19  }
0x9c: {  	s7 =	simm.s32 $0x0;
	s20 =	sshll.u32 s5, $0x1;
	s5 =	sadd.s32 s21, s3  }
0x9d: {  	[timem:s7], [sflag:s22] =	dma.local [hbm:s5], s20  }
0x9e: {  	_ =	swait.ge [sflag:s22], s20  }
0x9f: {  	s4 =	ssub.s32 $0x0, s20;
	[sflag:s22] =	ssyncset.done $0x0  }
0xa0: {  	[sflag:s22] =	ssyncadd.s32 s4;
	_ =	sdelay $0x1  }
0xa1: {  	s23 =	simm.s32 $0x1B8B  }
0xa2: {  	_ =	swait.ge [sflag:s23], $0x1  }
0xa3: {  	[sflag:s23] =	ssyncset.done $0x0  }
0xa4: {  	s25 =	simm.s32 $0x1B8E;
	s24 =	sld [smem:$0x3FFE];
	[sflag:s23] =	ssyncadd.s32 $0xFFFFFFFF  }
0xa5: {  	s26 =	simm.s32 $execute0_lowered;
	[smem:$0x3FD2] =	sst s25  }
0xa6: {  	s5 =	sshll.u32 s26, $0x1;
	_ =	strace $0x80000046;
	[dreg:$0x1] =	wrdreg $0xFFFFFFFF  }
0xa7: {  	s28 =	simm.s32 $_size_execute0_lowered;
	s3 =	sadd.s32 s3, s5;
	[dreg:$0x0] =	wrdreg $0x0  }
0xa8: {  	s5 =	sshll.u32 s28, $0x1;
	[dreg:$0x2] =	wrdreg s3  }
0xa9: {  	[dreg:$0x3] =	wrdreg s5  }
0xaa: {  	[dreg:$0x4] =	wrdreg $0xC0  }
0xab: {  	_ =	task [dreg:s7], $0x5FFFF  }
0xac: {  	[dreg:$0x1] =	wrdreg $0xFFFFFFFF  }
0xad: {  	[dreg:$0x0] =	wrdreg $0x60  }
0xae: {  	[dreg:$0x2] =	wrdreg s2  }
0xaf: {  	[dreg:$0x3] =	wrdreg s24  }
0xb0: {  	[dreg:$0x4] =	wrdreg $0x9  }
0xb1: {  	_ =	task.clear_ibuf [dreg:s7], $0x5FFFF;
	_ =	strace $0x90000046  }
0xb2: {  	s29 =	simm.s32 $0x9;
	_ =	strace $0x80000048  }
0xb3: {  	_ =	swait.ge [sflag:s29], $0x1  }
0xb4: {  	[sflag:s29] =	ssyncadd.s32 $0xFFFFFFFF  }
0xb5: {  	_ =	strace $0x90000048  }
0xb6: {  	_ =	sfence  }
0xb7: {  	s30 =	sld [smem:$0x0];
	_ =	sdelay $0x2  }
0xb8: {  	s31 =	sshll.u32 s1, $0xD;
	s1 =	sshrl.u32 s1, $0x2  }
0xb9: {  	s3 =	sand.u32 $0x4000, s31;
	s1 =	sadd.s32 s1, s30  }
0xba: {  	s0 =	sor.u32 s3, s0;
	s1 =	sshll.u32 s1, $0x11  }
0xbb: {  	s0 =	sor.u32 s1, s0  }
0xbc: {  	s0 =	sadd.s32 $0x8F2B, s0  }
0xbd: {  	[sflag:s0] =	ssyncadd.remote.s32 $0x1  }
0xbe: {  	_ =	sfence.sel $0xFFFF  }
0xbf: {  	[dreg:$0x0] =	wrdreg $0xFFFFFFFF;
	(pc) =	sbr.abs _section_cstart, $3  }
0xc0: {  	[dreg:$0x1] =	wrdreg $0xFFFFFFFF  }
0xc1: {  	_ =	task.clear_ibuf [dreg:s7], $0x2FFFF;
	_ =	strace $0x9FFFFFFF  }
0xc2: {  	(tm) =	ssettm $0x7FFFFFFF  }
0xc3: {  	_ =	shalt  }
tec
execute0_lowered:
.L_overlay_start_1:
0x0: {  	(tag) =	ssettag $0x1  }
0x1: {  	s2 =	rddreg [dreg:$0x0]  }
0x2: {  	s0 =	rddreg [dreg:$0x1]  }
0x3: {  	s3 =	srdreg.scid;
	s1 =	stileid.u32;
	s13 =	simm.s32 $0xC00  }
0x4: {  	s14 =	simm.s32 $0x1400;
	s4 =	sand.u32 $0x1, s3;
	s3 =	simm.s32 $0x0  }
0x5: {  	s15 =	simm.s32 $0x1C00;
	s16 =	simm.s32 $0x2400;
	[smem:$0x7FF] =	sst s3  }
0x6: {  	s18 =	simm.s32 $0x2C00;
	_ =	strace $0x80000047;
	[dreg:$0x6] =	wrdreg s13  }
0x7: {  	s19 =	simm.s32 $0x3400;
	s21 =	simm.s32 $0x3C00;
	[dreg:$0x7] =	wrdreg s14  }
0x8: {  	s23 =	simm.s32 $0x4400;
	s24 =	simm.s32 $0x4C00;
	[dreg:$0x8] =	wrdreg s15  }
0x9: {  	s25 =	simm.s32 $0x5400;
	s26 =	simm.s32 $0x5C00;
	[dreg:$0x9] =	wrdreg s16  }
0xa: {  	s9 =	simm.s32 $0x6C00;
	s28 =	simm.s32 $0xFC00;
	[dreg:$0xa] =	wrdreg s18  }
0xb: {  	s29 =	simm.s32 $0x1;
	s30 =	simm.s32 $0x2;
	[dreg:$0xb] =	wrdreg s19  }
0xc: {  	s31 =	simm.s32 $0x3;
	s5 =	sshrl.u32 s1, $0x1;
	[dreg:$0xc] =	wrdreg s21  }
0xd: {  	s6 =	sshll.u32 s1, $0x9;
	s7 =	sshll.u32 s4, $0x8;
	[dreg:$0xd] =	wrdreg s23  }
0xe: {  	s8 =	sshll.u32 s5, $0x7;
	s4 =	ssub.s32 $0x2, s4;
	[dreg:$0xe] =	wrdreg s24  }
0xf: {  	s20 =	sshll.u32 s5, $0xC;
	s6 =	sor.u32 s7, s6;
	[dreg:$0xf] =	wrdreg s25  }
0x10: {  	s10 =	sadd.s32 s8, s0;
	s17 =	sshrl.u32 s4, $0x1;
	[dreg:$0x10] =	wrdreg s26  }
0x11: {  	s13 =	simm.s32 $0x8C00;
	s14 =	simm.s32 $0x9400;
	s15 =	simm.s32 $0x9C00  }
0x12: {  	s16 =	simm.s32 $0xA400;
	s18 =	simm.s32 $0xB400;
	s19 =	simm.s32 $0xBC00  }
0x13: {  	s21 =	simm.s32 $0xCC00;
	s23 =	simm.s32 $0xDC00;
	s24 =	simm.s32 $0xE400  }
0x14: {  	s25 =	simm.s32 $0xEC00;
	s26 =	simm.s32 $0xF400;
	s11 =	sshll.u32 s6, $0x5  }
0x15: {  	s7 =	sadd.s32 $0x2800, s10;
	s22 =	sshll.u32 s6, $0x2;
	s6 =	simm.s32 $0x5  }
0x16: {  	s10 =	simm.s32 $0x7400;
	s0 =	sadd.s32 s11, s0;
	[dreg:$0x3] =	wrdreg s7  }
0x17: {  	s7 =	ssub.s32 s4, s17;
	s4 =	ssub.s32 s22, s20;
	s11 =	simm.s32 $0x7C00  }
0x18: {  	s17 =	simm.s32 $0xAC00;
	s20 =	simm.s32 $0xC400;
	s22 =	simm.s32 $0xD400  }
0x19: {  	v2 =	vlaneseq.u32;
	s12 =	sadd.s32 $0x3000, s0;
	s0 =	sadd.s32 $0x4000, s0;
	s4 =	sshra.s32 s4, $0x2  }
0x1a: {  	vm0 =	vmmov $0xffff;
	v1 =	vshrl.u32 v2, $0x3;
	s5 =	smax.u32 s7, $0x1;
	s7 =	simm.s32 $0x400;
	[dreg:$0x4] =	wrdreg s12  }
0x1b: {  	v0 =	vand.u32 $0x7, v2;
	v2 =	vor.u32 $0x8, v2;
	v1 =	vmul.u32 $0x8, v1;
	[dreg:$0x5] =	wrdreg s0;
	s12 =	simm.s32 $0x8400;
	s0 =	simm.s32 $0x4  }
.LBB2_1:
0x1c: {  	s1 =	rddreg [dreg:$0x3]  }
0x1d: {  	[tilespmem:s3], [sflag:$0x5] =	stream.linear.gather [hbm4b:s1+s3], $0x400, $0x38;
	[tilespmem:$0x10400] =	vst v63  }
0x1e: {  	_ =	swait.ge [sflag:s6], $0x400  }
0x1f: {  	[sflag:s6] =	ssyncset.done $0x0  }
0x20: {  	[sflag:s6] =	ssyncadd.s32 $0xFFFFFC00  }
0x21: {  	v3 =	vld [tilespmem:s4+$0x0];
	_ =	sdelay $0x4  }
0x22: {  	v4 =	vshll.u32 v3, $0x1  }
0x23: {  	v3 =	vand.u32 $0x7, v3;
	v4 =	vand.u32 $0xFFFFFFF0, v4  }
0x24: {  	v3 =	vor.u32 v3, v4  }
0x25: {  	v4 =	vperm.xlane v3, v0;
	_ =	sdelay $0x1  }
0x26: {  	v3 =	vperm.xlane v3, v2;
	v4 =	vadd.s32 v1, v4;
	_ =	sdelay $0x1  }
0x27: {  	v3 =	vadd.s32 v1, v3;
	_ =	sdelay $0x2  }
0x28: {  	[tilespmem:s7], [sflag:$0x1] =	stream.indirect_vreg.gather [hbm4b:s2+s3], $0x80, v4, vm0, $0xb8;
	[tilespmem:$0x10400] =	vst v63  }
0x29: {  	s8 =	rddreg [dreg:$0x6]  }
0x2a: {  	[tilespmem:s8], [sflag:$0x1] =	stream.indirect_vreg.gather [hbm4b:s2+s3], $0x80, v3, vm0, $0xb8;
	[tilespmem:$0x10400] =	vst v63  }
0x2b: {  	v3 =	vld [tilespmem:s4+$0x10];
	_ =	sdelay $0x4  }
0x2c: {  	v49 =	vshll.u32 v3, $0x1  }
0x2d: {  	v3 =	vand.u32 $0x7, v3;
	v4 =	vand.u32 $0xFFFFFFF0, v49  }
0x2e: {  	v3 =	vor.u32 v3, v4  }
0x2f: {  	v4 =	vperm.xlane v3, v0;
	_ =	sdelay $0x1  }
0x30: {  	v3 =	vperm.xlane v3, v2;
	v4 =	vadd.s32 v1, v4;
	_ =	sdelay $0x1  }
0x31: {  	v3 =	vadd.s32 v1, v3;
	_ =	sdelay $0x1  }
0x32: {  	s1 =	rddreg [dreg:$0x7]  }
0x33: {  	[tilespmem:s1], [sflag:$0x1] =	stream.indirect_vreg.gather [hbm4b:s2+s3], $0x80, v4, vm0, $0xb8;
	[tilespmem:$0x10400] =	vst v63  }
0x34: {  	s8 =	rddreg [dreg:$0x8]  }
0x35: {  	[tilespmem:s8], [sflag:$0x1] =	stream.indirect_vreg.gather [hbm4b:s2+s3], $0x80, v3, vm0, $0xb8;
	[tilespmem:$0x10400] =	vst v63  }
0x36: {  	v3 =	vld [tilespmem:s4+$0x20];
	_ =	sdelay $0x4  }
0x37: {  	v50 =	vshll.u32 v3, $0x1  }
0x38: {  	v3 =	vand.u32 $0x7, v3;
	v4 =	vand.u32 $0xFFFFFFF0, v50  }
0x39: {  	v3 =	vor.u32 v3, v4  }
0x3a: {  	v4 =	vperm.xlane v3, v0;
	_ =	sdelay $0x1  }
0x3b: {  	v3 =	vperm.xlane v3, v2;
	v4 =	vadd.s32 v1, v4;
	_ =	sdelay $0x1  }
0x3c: {  	v3 =	vadd.s32 v1, v3;
	_ =	sdelay $0x1  }
0x3d: {  	s1 =	rddreg [dreg:$0x9]  }
0x3e: {  	[tilespmem:s1], [sflag:$0x1] =	stream.indirect_vreg.gather [hbm4b:s2+s3], $0x80, v4, vm0, $0xb8;
	[tilespmem:$0x10400] =	vst v63  }
0x3f: {  	s8 =	rddreg [dreg:$0xa]  }
0x40: {  	[tilespmem:s8], [sflag:$0x1] =	stream.indirect_vreg.gather [hbm4b:s2+s3], $0x80, v3, vm0, $0xb8;
	[tilespmem:$0x10400] =	vst v63  }
0x41: {  	v3 =	vld [tilespmem:s4+$0x30];
	_ =	sdelay $0x4  }
0x42: {  	v51 =	vshll.u32 v3, $0x1  }
0x43: {  	v3 =	vand.u32 $0x7, v3;
	v4 =	vand.u32 $0xFFFFFFF0, v51  }
0x44: {  	v3 =	vor.u32 v3, v4  }
0x45: {  	v4 =	vperm.xlane v3, v0;
	_ =	sdelay $0x1  }
0x46: {  	v3 =	vperm.xlane v3, v2;
	v4 =	vadd.s32 v1, v4;
	_ =	sdelay $0x1  }
0x47: {  	v3 =	vadd.s32 v1, v3;
	_ =	sdelay $0x1  }
0x48: {  	s1 =	rddreg [dreg:$0xb]  }
0x49: {  	[tilespmem:s1], [sflag:$0x1] =	stream.indirect_vreg.gather [hbm4b:s2+s3], $0x80, v4, vm0, $0xb8;
	[tilespmem:$0x10400] =	vst v63  }
0x4a: {  	s8 =	rddreg [dreg:$0xc]  }
0x4b: {  	[tilespmem:s8], [sflag:$0x1] =	stream.indirect_vreg.gather [hbm4b:s2+s3], $0x80, v3, vm0, $0xb8;
	[tilespmem:$0x10400] =	vst v63  }
0x4c: {  	v3 =	vld [tilespmem:s4+$0x40];
	_ =	sdelay $0x4  }
0x4d: {  	v52 =	vshll.u32 v3, $0x1  }
0x4e: {  	v3 =	vand.u32 $0x7, v3;
	v4 =	vand.u32 $0xFFFFFFF0, v52  }
0x4f: {  	v3 =	vor.u32 v3, v4  }
0x50: {  	v4 =	vperm.xlane v3, v0;
	_ =	sdelay $0x1  }
0x51: {  	v3 =	vperm.xlane v3, v2;
	v4 =	vadd.s32 v1, v4;
	_ =	sdelay $0x1  }
0x52: {  	v3 =	vadd.s32 v1, v3;
	_ =	sdelay $0x1  }
0x53: {  	s1 =	rddreg [dreg:$0xd]  }
0x54: {  	[tilespmem:s1], [sflag:$0x1] =	stream.indirect_vreg.gather [hbm4b:s2+s3], $0x80, v4, vm0, $0xb8;
	[tilespmem:$0x10400] =	vst v63  }
0x55: {  	s8 =	rddreg [dreg:$0xe]  }
0x56: {  	[tilespmem:s8], [sflag:$0x1] =	stream.indirect_vreg.gather [hbm4b:s2+s3], $0x80, v3, vm0, $0xb8;
	[tilespmem:$0x10400] =	vst v63  }
0x57: {  	v3 =	vld [tilespmem:s4+$0x50];
	_ =	sdelay $0x4  }
0x58: {  	v53 =	vshll.u32 v3, $0x1  }
0x59: {  	v3 =	vand.u32 $0x7, v3;
	v4 =	vand.u32 $0xFFFFFFF0, v53  }
0x5a: {  	v3 =	vor.u32 v3, v4  }
0x5b: {  	v4 =	vperm.xlane v3, v0;
	_ =	sdelay $0x1  }
0x5c: {  	v3 =	vperm.xlane v3, v2;
	v4 =	vadd.s32 v1, v4;
	_ =	sdelay $0x1  }
0x5d: {  	v3 =	vadd.s32 v1, v3;
	_ =	sdelay $0x1  }
0x5e: {  	s1 =	rddreg [dreg:$0xf]  }
0x5f: {  	[tilespmem:s1], [sflag:$0x1] =	stream.indirect_vreg.gather [hbm4b:s2+s3], $0x80, v4, vm0, $0xb8;
	[tilespmem:$0x10400] =	vst v63  }
0x60: {  	s8 =	rddreg [dreg:$0x10]  }
0x61: {  	[tilespmem:s8], [sflag:$0x1] =	stream.indirect_vreg.gather [hbm4b:s2+s3], $0x80, v3, vm0, $0xb8;
	[tilespmem:$0x10400] =	vst v63  }
0x62: {  	v3 =	vld [tilespmem:s4+$0x60];
	_ =	sdelay $0x4  }
0x63: {  	v54 =	vshll.u32 v3, $0x1  }
0x64: {  	v3 =	vand.u32 $0x7, v3;
	v4 =	vand.u32 $0xFFFFFFF0, v54  }
0x65: {  	v3 =	vor.u32 v3, v4  }
0x66: {  	v4 =	vperm.xlane v3, v0;
	_ =	sdelay $0x1  }
0x67: {  	v3 =	vperm.xlane v3, v2;
	v4 =	vadd.s32 v1, v4;
	_ =	sdelay $0x1  }
0x68: {  	v3 =	vadd.s32 v1, v3;
	_ =	sdelay $0x1  }
0x69: {  	s8 =	simm.s32 $0x6400  }
0x6a: {  	[tilespmem:s8], [sflag:$0x1] =	stream.indirect_vreg.gather [hbm4b:s2+s3], $0x80, v4, vm0, $0xb8;
	[tilespmem:$0x10400] =	vst v63  }
0x6b: {  	_ = 	snop  }
0x6c: {  	[tilespmem:s9], [sflag:$0x1] =	stream.indirect_vreg.gather [hbm4b:s2+s3], $0x80, v3, vm0, $0xb8;
	[tilespmem:$0x10400] =	vst v63  }
0x6d: {  	v3 =	vld [tilespmem:s4+$0x70];
	_ =	sdelay $0x4  }
0x6e: {  	v55 =	vshll.u32 v3, $0x1  }
0x6f: {  	v3 =	vand.u32 $0x7, v3;
	v4 =	vand.u32 $0xFFFFFFF0, v55  }
0x70: {  	v3 =	vor.u32 v3, v4  }
0x71: {  	v4 =	vperm.xlane v3, v0;
	_ =	sdelay $0x1  }
0x72: {  	v3 =	vperm.xlane v3, v2;
	v4 =	vadd.s32 v1, v4;
	_ =	sdelay $0x1  }
0x73: {  	v3 =	vadd.s32 v1, v3;
	_ =	sdelay $0x2  }
0x74: {  	[tilespmem:s10], [sflag:$0x1] =	stream.indirect_vreg.gather [hbm4b:s2+s3], $0x80, v4, vm0, $0xb8;
	[tilespmem:$0x10400] =	vst v63  }
0x75: {  	_ = 	snop  }
0x76: {  	[tilespmem:s11], [sflag:$0x1] =	stream.indirect_vreg.gather [hbm4b:s2+s3], $0x80, v3, vm0, $0xb8;
	[tilespmem:$0x10400] =	vst v63  }
0x77: {  	v3 =	vld [tilespmem:s4+$0x80];
	_ =	sdelay $0x4  }
0x78: {  	v56 =	vshll.u32 v3, $0x1  }
0x79: {  	v3 =	vand.u32 $0x7, v3;
	v4 =	vand.u32 $0xFFFFFFF0, v56  }
0x7a: {  	v3 =	vor.u32 v3, v4  }
0x7b: {  	v4 =	vperm.xlane v3, v0;
	_ =	sdelay $0x1  }
0x7c: {  	v3 =	vperm.xlane v3, v2;
	v4 =	vadd.s32 v1, v4;
	_ =	sdelay $0x1  }
0x7d: {  	v3 =	vadd.s32 v1, v3;
	_ =	sdelay $0x2  }
0x7e: {  	[tilespmem:s12], [sflag:$0x2] =	stream.indirect_vreg.gather [hbm4b:s2+s3], $0x80, v4, vm0, $0xb8;
	[tilespmem:$0x10400] =	vst v63  }
0x7f: {  	_ = 	snop  }
0x80: {  	[tilespmem:s13], [sflag:$0x2] =	stream.indirect_vreg.gather [hbm4b:s2+s3], $0x80, v3, vm0, $0xb8;
	[tilespmem:$0x10400] =	vst v63  }
0x81: {  	v3 =	vld [tilespmem:s4+$0x90];
	_ =	sdelay $0x4  }
0x82: {  	v57 =	vshll.u32 v3, $0x1  }
0x83: {  	v3 =	vand.u32 $0x7, v3;
	v4 =	vand.u32 $0xFFFFFFF0, v57  }
0x84: {  	v3 =	vor.u32 v3, v4  }
0x85: {  	v4 =	vperm.xlane v3, v0;
	_ =	sdelay $0x1  }
0x86: {  	v3 =	vperm.xlane v3, v2;
	v4 =	vadd.s32 v1, v4;
	_ =	sdelay $0x1  }
0x87: {  	v3 =	vadd.s32 v1, v3;
	_ =	sdelay $0x2  }
0x88: {  	[tilespmem:s14], [sflag:$0x2] =	stream.indirect_vreg.gather [hbm4b:s2+s3], $0x80, v4, vm0, $0xb8;
	[tilespmem:$0x10400] =	vst v63  }
0x89: {  	_ = 	snop  }
0x8a: {  	[tilespmem:s15], [sflag:$0x2] =	stream.indirect_vreg.gather [hbm4b:s2+s3], $0x80, v3, vm0, $0xb8;
	[tilespmem:$0x10400] =	vst v63  }
0x8b: {  	v3 =	vld [tilespmem:s4+$0xA0];
	_ =	sdelay $0x4  }
0x8c: {  	v58 =	vshll.u32 v3, $0x1  }
0x8d: {  	v3 =	vand.u32 $0x7, v3;
	v4 =	vand.u32 $0xFFFFFFF0, v58  }
0x8e: {  	v3 =	vor.u32 v3, v4  }
0x8f: {  	v4 =	vperm.xlane v3, v0;
	_ =	sdelay $0x1  }
0x90: {  	v3 =	vperm.xlane v3, v2;
	v4 =	vadd.s32 v1, v4;
	_ =	sdelay $0x1  }
0x91: {  	v3 =	vadd.s32 v1, v3;
	_ =	sdelay $0x2  }
0x92: {  	[tilespmem:s16], [sflag:$0x2] =	stream.indirect_vreg.gather [hbm4b:s2+s3], $0x80, v4, vm0, $0xb8;
	[tilespmem:$0x10400] =	vst v63  }
0x93: {  	_ = 	snop  }
0x94: {  	[tilespmem:s17], [sflag:$0x2] =	stream.indirect_vreg.gather [hbm4b:s2+s3], $0x80, v3, vm0, $0xb8;
	[tilespmem:$0x10400] =	vst v63  }
0x95: {  	v3 =	vld [tilespmem:s4+$0xB0];
	_ =	sdelay $0x4  }
0x96: {  	v59 =	vshll.u32 v3, $0x1  }
0x97: {  	v3 =	vand.u32 $0x7, v3;
	v4 =	vand.u32 $0xFFFFFFF0, v59  }
0x98: {  	v3 =	vor.u32 v3, v4  }
0x99: {  	v4 =	vperm.xlane v3, v0;
	_ =	sdelay $0x1  }
0x9a: {  	v3 =	vperm.xlane v3, v2;
	v4 =	vadd.s32 v1, v4;
	_ =	sdelay $0x1  }
0x9b: {  	v3 =	vadd.s32 v1, v3;
	_ =	sdelay $0x2  }
0x9c: {  	[tilespmem:s18], [sflag:$0x2] =	stream.indirect_vreg.gather [hbm4b:s2+s3], $0x80, v4, vm0, $0xb8;
	[tilespmem:$0x10400] =	vst v63  }
0x9d: {  	_ = 	snop  }
0x9e: {  	[tilespmem:s19], [sflag:$0x2] =	stream.indirect_vreg.gather [hbm4b:s2+s3], $0x80, v3, vm0, $0xb8;
	[tilespmem:$0x10400] =	vst v63  }
0x9f: {  	v3 =	vld [tilespmem:s4+$0xC0];
	_ =	sdelay $0x4  }
0xa0: {  	v60 =	vshll.u32 v3, $0x1  }
0xa1: {  	v3 =	vand.u32 $0x7, v3;
	v4 =	vand.u32 $0xFFFFFFF0, v60  }
0xa2: {  	v3 =	vor.u32 v3, v4  }
0xa3: {  	v4 =	vperm.xlane v3, v0;
	_ =	sdelay $0x1  }
0xa4: {  	v3 =	vperm.xlane v3, v2;
	v4 =	vadd.s32 v1, v4;
	_ =	sdelay $0x1  }
0xa5: {  	v3 =	vadd.s32 v1, v3;
	_ =	sdelay $0x2  }
0xa6: {  	[tilespmem:s20], [sflag:$0x2] =	stream.indirect_vreg.gather [hbm4b:s2+s3], $0x80, v4, vm0, $0xb8;
	[tilespmem:$0x10400] =	vst v63  }
0xa7: {  	_ = 	snop  }
0xa8: {  	[tilespmem:s21], [sflag:$0x2] =	stream.indirect_vreg.gather [hbm4b:s2+s3], $0x80, v3, vm0, $0xb8;
	[tilespmem:$0x10400] =	vst v63  }
0xa9: {  	v3 =	vld [tilespmem:s4+$0xD0];
	_ =	sdelay $0x4  }
0xaa: {  	v61 =	vshll.u32 v3, $0x1  }
0xab: {  	v3 =	vand.u32 $0x7, v3;
	v4 =	vand.u32 $0xFFFFFFF0, v61  }
0xac: {  	v3 =	vor.u32 v3, v4  }
0xad: {  	v4 =	vperm.xlane v3, v0;
	_ =	sdelay $0x1  }
0xae: {  	v3 =	vperm.xlane v3, v2;
	v4 =	vadd.s32 v1, v4;
	_ =	sdelay $0x1  }
0xaf: {  	v3 =	vadd.s32 v1, v3;
	_ =	sdelay $0x2  }
0xb0: {  	[tilespmem:s22], [sflag:$0x2] =	stream.indirect_vreg.gather [hbm4b:s2+s3], $0x80, v4, vm0, $0xb8;
	[tilespmem:$0x10400] =	vst v63  }
0xb1: {  	_ = 	snop  }
0xb2: {  	[tilespmem:s23], [sflag:$0x2] =	stream.indirect_vreg.gather [hbm4b:s2+s3], $0x80, v3, vm0, $0xb8;
	[tilespmem:$0x10400] =	vst v63  }
0xb3: {  	v3 =	vld [tilespmem:s4+$0xE0];
	_ =	sdelay $0x4  }
0xb4: {  	v62 =	vshll.u32 v3, $0x1  }
0xb5: {  	v3 =	vand.u32 $0x7, v3;
	v4 =	vand.u32 $0xFFFFFFF0, v62  }
0xb6: {  	v3 =	vor.u32 v3, v4  }
0xb7: {  	v4 =	vperm.xlane v3, v0;
	_ =	sdelay $0x1  }
0xb8: {  	v3 =	vperm.xlane v3, v2;
	v4 =	vadd.s32 v1, v4;
	_ =	sdelay $0x1  }
0xb9: {  	v3 =	vadd.s32 v1, v3;
	_ =	sdelay $0x2  }
0xba: {  	[tilespmem:s24], [sflag:$0x2] =	stream.indirect_vreg.gather [hbm4b:s2+s3], $0x80, v4, vm0, $0xb8;
	[tilespmem:$0x10400] =	vst v63  }
0xbb: {  	_ = 	snop  }
0xbc: {  	[tilespmem:s25], [sflag:$0x2] =	stream.indirect_vreg.gather [hbm4b:s2+s3], $0x80, v3, vm0, $0xb8;
	[tilespmem:$0x10400] =	vst v63  }
0xbd: {  	v3 =	vld [tilespmem:s4+$0xF0];
	_ =	sdelay $0x4  }
0xbe: {  	v63 =	vshll.u32 v3, $0x1  }
0xbf: {  	v3 =	vand.u32 $0x7, v3;
	v4 =	vand.u32 $0xFFFFFFF0, v63  }
0xc0: {  	v3 =	vor.u32 v3, v4  }
0xc1: {  	v4 =	vperm.xlane v3, v0;
	_ =	sdelay $0x1  }
0xc2: {  	v3 =	vperm.xlane v3, v2;
	v4 =	vadd.s32 v1, v4;
	_ =	sdelay $0x1  }
0xc3: {  	v3 =	vadd.s32 v1, v3;
	_ =	sdelay $0x2  }
0xc4: {  	[tilespmem:s26], [sflag:$0x2] =	stream.indirect_vreg.gather [hbm4b:s2+s3], $0x80, v4, vm0, $0xb8;
	[tilespmem:$0x10400] =	vst v63  }
0xc5: {  	_ = 	snop  }
0xc6: {  	[tilespmem:s28], [sflag:$0x2] =	stream.indirect_vreg.gather [hbm4b:s2+s3], $0x80, v3, vm0, $0xb8;
	[tilespmem:$0x10400] =	vst v63  }
0xc7: {  	_ =	swait.ge [sflag:s29], $0x8000  }
0xc8: {  	[sflag:s29] =	ssyncset.done $0x0  }
0xc9: {  	s8 =	rddreg [dreg:$0x4];
	[sflag:s29] =	ssyncadd.s32 $0xFFFF8000  }
0xca: {  	[hbm4b:s8+s3] =	stream.linear.scatter [tilespmem:s7], [sflag:$0x3], $0x8000, $0x38;
	[tilespmem:$0x10400] =	vst v63  }
0xcb: {  	_ =	swait.ge [sflag:s30], $0x8000  }
0xcc: {  	[sflag:s30] =	ssyncset.done $0x0  }
0xcd: {  	s8 =	rddreg [dreg:$0x5];
	[sflag:s30] =	ssyncadd.s32 $0xFFFF8000  }
0xce: {  	[hbm4b:s8+s3] =	stream.linear.scatter [tilespmem:s12], [sflag:$0x4], $0x8000, $0x38;
	[tilespmem:$0x10400] =	vst v63  }
0xcf: {  	p0 =	sne.s32 s5, $0x1;
	_ =	swait.ge [sflag:s31], $0x8000  }
.Ltmp0:
0xd0: {  	[sflag:s31] =	ssyncset.done $0x0;
	(pc) =	sbr.rel @p0 .LBB2_1-.Ltmp0, $4  }
0xd1: {  	[sflag:s31] =	ssyncadd.s32 $0xFFFF8000  }
0xd2: {  	_ =	swait.ge [sflag:s0], $0x8000  }
0xd3: {  	[sflag:s0] =	ssyncset.done $0x0  }
0xd4: {  	s5 =	sadd.s32 $0xFFFFFFFF, s5;
	[sflag:s0] =	ssyncadd.s32 $0xFFFF8000  }
0xd5: {  	_ =	sfence.sel $0x180000  }
0xd6: {  	[bflag:$0x0] =	sbarrier.arrive $0xFFFF  }
0xd7: {  	_ =	strace $0x90000047  }
0xd8: {  	s0 =	stileid.u32;
	[bflag:$0x2] =	sbarrier.arrive $0xFFFF  }
0xd9: {  	p0 =	sne.s32 s0, $0x0;
	s0 =	rddreg [dreg:$0x2]  }
0xda: {  	s0 =	sadd.s32 @!p0 $0x100000, s0  }
0xdb: {  	[sflag:s0] =	ssyncadd.tile.s32 @!p0 $0x1;
	_ =	shalt  }
.Lfunc_end2:
_tile_overlayer_lowered:
.L_overlay_start_2:
0xdc: {  	(tag) =	ssettag $0x2  }
0xdd: {  	s0 =	rddreg [dreg:$0x0];
	s2 =	stileid.u32  }
0xde: {  	s1 =	rddreg [dreg:$0x1];
	p0 =	sne.s32 s2, $0x0  }
0xdf: {  	s3 =	rddreg [dreg:$0x2];
	[bflag:$0x3] =	sbarrier.arrive $0xFFFF;
	s2 =	simm.s32 @!p0 $0x1C05  }
0xe0: {  	[timem:s3], [sflag:s2] =	dma.local @!p0 [hbm:s0], s1  }
0xe1: {  	s0 =	simm.s32 @!p0 $0x5  }
0xe2: {  	_ =	swait.ge @!p0 [sflag:s0], s1  }
0xe3: {  	s1 =	ssub.s32 @!p0 $0x0, s1;
	[sflag:s0] =	ssyncset.done @!p0 $0x0  }
0xe4: {  	[sflag:s0] =	ssyncadd.s32 @!p0 s1  }
0xe5: {  	[bflag:$0x3] =	sbarrier.arrive $0xFFFF  }
0xe6: {  	_ =	shalt  }

</sc_bundles>
